<compile_context>
chip_gen: v7x
topology: tpu7x:2x2x1
jax: 0.10.2.dev20260603
libtpu: 0.0.44.dev20260713+nightly
codegen_flags: <defaults>
</compile_context>

<pallas_src>
import functools

import jax
import jax.numpy as jnp
from jax import lax
from jax.experimental import pallas as pl
from jax.experimental.pallas import tpu as pltpu
from jax.experimental.pallas import tpu_sc as plsc

B, S, H, K, A = 4096, 512, 128, 512, 512
BB = 256
CB = 512
NW = 32
BPW = B // NW


def _tables_body(emb_ref, wa_ref, ba_ref, wv_ref, bv_ref,
                 prob_ref, val_ref, embsq_ref):
    emb = emb_ref[...]
    logits = lax.dot_general(
        emb, wa_ref[...], (((1,), (1,)), ((), ())),
        precision=lax.Precision.HIGHEST,
        preferred_element_type=jnp.float32) + ba_ref[...]
    prob_ref[...] = jax.nn.softmax(logits, axis=-1)
    val_ref[...] = lax.dot_general(
        wv_ref[...], emb, (((1,), (1,)), ((), ())),
        preferred_element_type=jnp.float32) + bv_ref[0, 0]
    embsq_ref[...] = jnp.sum(emb * emb, axis=1, keepdims=True)


def _mlp_body(in_ref, w1_ref, b1_ref, w2_ref, b2_ref, w3_ref, b3_ref,
              emb_ref, nhe_ref, x_ref, idx1_ref, idx2_ref):
    def lin(x, w_ref, b_ref):
        return lax.dot_general(
            x, w_ref[...], (((1,), (1,)), ((), ())),
            preferred_element_type=jnp.float32) + b_ref[...]

    x = jnp.maximum(lin(in_ref[...], w1_ref, b1_ref), 0.0)
    x = jnp.maximum(lin(x, w2_ref, b2_ref), 0.0)
    x = jnp.maximum(lin(x, w3_ref, b3_ref), 0.0)
    x_ref[...] = x
    s = lax.dot_general(
        x, emb_ref[...], (((1,), (1,)), ((), ())),
        preferred_element_type=jnp.float32) + nhe_ref[...]
    ks = lax.broadcasted_iota(jnp.int32, (BB, K), 1)
    m1 = jnp.max(s, axis=1, keepdims=True)
    idx1 = jnp.min(jnp.where(s == m1, ks, K), axis=1, keepdims=True)
    idx1_ref[...] = idx1
    s2 = jnp.where(ks == idx1, jnp.float32(-3.0e38), s)
    m2 = jnp.max(s2, axis=1, keepdims=True)
    idx2_ref[...] = jnp.min(jnp.where(s2 == m2, ks, K), axis=1,
                            keepdims=True)


def _exact_rowsum(sq):
    acc = sq[0:8, :]
    for t in range(1, 16):
        acc = acc + sq[8 * t:8 * (t + 1), :]
    w = 4
    while w >= 1:
        acc = acc[:w, :] + acc[w:2 * w, :]
        w //= 2
    return acc


def _refine_body(xt_ref, embt_ref, valrow_ref, idx1_ref, idx2_ref,
                 idxf_ref, val_ref):
    xt = xt_ref[...]
    idx1 = idx1_ref[0]
    idx2 = idx2_ref[0]
    ksc = lax.broadcasted_iota(jnp.int32, (K, CB), 0)

    def exact_d(idx):
        oh = jnp.where(ksc == idx, 1.0, 0.0)
        et = lax.dot_general(
            embt_ref[...], oh, (((1,), (0,)), ((), ())),
            precision=lax.Precision.HIGHEST,
            preferred_element_type=jnp.float32)
        return _exact_rowsum((xt - et) ** 2)

    d1 = exact_d(idx1)
    d2 = exact_d(idx2)
    idxf = jnp.where(d1 < d2, idx1,
                     jnp.where(d2 < d1, idx2, jnp.minimum(idx1, idx2)))
    idxf_ref[0] = idxf
    ohf = jnp.where(ksc == idxf, 1.0, 0.0)
    val_ref[0] = lax.dot_general(
        valrow_ref[...], ohf, (((1,), (0,)), ((), ())),
        precision=lax.Precision.HIGHEST,
        preferred_element_type=jnp.float32)


def _tc_stage(inputs, W1, b1, W2, b2, W3, b3, emb, Wa, ba, Wv, bv):
    prob_t, val_t, embsq = pl.pallas_call(
        _tables_body,
        out_shape=[
            jax.ShapeDtypeStruct((K, A), jnp.float32),
            jax.ShapeDtypeStruct((1, K), jnp.float32),
            jax.ShapeDtypeStruct((K, 1), jnp.float32),
        ],
    )(emb, Wa, ba.reshape(1, A), Wv, bv.reshape(1, 1))

    neg_half_embsq = (-0.5) * embsq.reshape(1, K)

    full = lambda shape: pl.BlockSpec(shape, lambda i: (0, 0))
    x, idx1, idx2 = pl.pallas_call(
        _mlp_body,
        grid=(B // BB,),
        in_specs=[
            pl.BlockSpec((BB, S), lambda i: (i, 0)),
            full((H, S)), full((1, H)),
            full((H, H)), full((1, H)),
            full((H, H)), full((1, H)),
            full((K, H)), full((1, K)),
        ],
        out_specs=[pl.BlockSpec((BB, H), lambda i: (i, 0)),
                   pl.BlockSpec((BB, 1), lambda i: (i, 0)),
                   pl.BlockSpec((BB, 1), lambda i: (i, 0))],
        out_shape=[jax.ShapeDtypeStruct((B, H), jnp.float32),
                   jax.ShapeDtypeStruct((B, 1), jnp.int32),
                   jax.ShapeDtypeStruct((B, 1), jnp.int32)],
    )(inputs, W1, b1.reshape(1, H), W2, b2.reshape(1, H),
      W3, b3.reshape(1, H), emb, neg_half_embsq)

    nb = B // CB
    idxf, value = pl.pallas_call(
        _refine_body,
        grid=(nb,),
        in_specs=[
            pl.BlockSpec((H, CB), lambda i: (0, i)),
            full((H, K)), full((1, K)),
            pl.BlockSpec((1, 1, CB), lambda i: (i, 0, 0)),
            pl.BlockSpec((1, 1, CB), lambda i: (i, 0, 0)),
        ],
        out_specs=[pl.BlockSpec((1, 1, CB), lambda i: (i, 0, 0)),
                   pl.BlockSpec((1, 1, CB), lambda i: (i, 0, 0))],
        out_shape=[jax.ShapeDtypeStruct((nb, 1, CB), jnp.int32),
                   jax.ShapeDtypeStruct((nb, 1, CB), jnp.float32)],
    )(x.T, emb.T, val_t,
      idx1.reshape(nb, 1, CB), idx2.reshape(nb, 1, CB))

    return prob_t, idxf.reshape(B), value.reshape(B, 1)


def _gather_body(prob_hbm, idx_hbm, act_hbm, idx_v, rows_v, sem):
    wid = lax.axis_index("s") * 2 + lax.axis_index("c")
    base = wid * BPW
    pltpu.sync_copy(idx_hbm.at[pl.ds(base, BPW)], idx_v)
    pltpu.async_copy(prob_hbm.at[idx_v], rows_v, sem).wait()
    pltpu.sync_copy(rows_v, act_hbm.at[pl.ds(base, BPW)])


@functools.cache
def _gather_call():
    return functools.partial(
        pl.kernel,
        mesh=plsc.VectorSubcoreMesh(core_axis_name="c", subcore_axis_name="s"),
        out_type=jax.ShapeDtypeStruct((B, A), jnp.float32),
        scratch_types=[
            pltpu.VMEM((BPW,), jnp.int32),
            pltpu.VMEM((BPW, A), jnp.float32),
            pltpu.SemaphoreType.DMA,
        ],
    )(_gather_body)


def kernel(inputs, W1, b1, W2, b2, W3, b3, emb, Wa, ba, Wv, bv):
    prob_t, idx, value = _tc_stage(
        inputs, W1, b1, W2, b2, W3, b3, emb, Wa, ba, Wv, bv)
    actions_prob = _gather_call()(prob_t, idx)
    return actions_prob, value

# --- scband reference (transcript-rebuilt; emitter-appended) ---
"""Pipeline reference for scband-original-model-9337258901700 (READ-ONLY COPY).

The authoritative reference and input builder live on the scoring server;
editing this copy changes nothing except your own understanding.
"""

import jax, jax.numpy as jnp
import numpy as np

B, S, H, K, A, L = 4096, 512, 128, 512, 512, 2
TEMPERATURE = 1.0


def setup_inputs(seed: int = 0) -> dict:
    key = jax.random.key(seed)
    ks = jax.random.split(key, 12)
    inp = {
        "inputs": jax.random.normal(ks[0], (B, S), dtype=jnp.float32),
        "W1": jax.random.normal(ks[1], (H, S), dtype=jnp.float32) * 0.02,
        "b1": jnp.zeros((H,), dtype=jnp.float32),
        "W2": jax.random.normal(ks[2], (H, H), dtype=jnp.float32) * 0.05,
        "b2": jnp.zeros((H,), dtype=jnp.float32),
        "W3": jax.random.normal(ks[3], (H, H), dtype=jnp.float32) * 0.05,
        "b3": jnp.zeros((H,), dtype=jnp.float32),
        "emb": jax.random.normal(ks[4], (K, H), dtype=jnp.float32),
        "Wa": jax.random.normal(ks[5], (A, H), dtype=jnp.float32) * 0.02,
        "ba": jnp.zeros((A,), dtype=jnp.float32),
        "Wv": jax.random.normal(ks[6], (1, H), dtype=jnp.float32) * 0.02,
        "bv": jnp.zeros((1,), dtype=jnp.float32),
    }
    return inp


def reference(inputs, W1, b1, W2, b2, W3, b3, emb, Wa, ba, Wv, bv):
    # vq_encoder (eval path)
    x = jax.nn.relu(inputs @ W1.T + b1)
    x = jax.nn.relu(x @ W2.T + b2)
    x = jax.nn.relu(x @ W3.T + b3)
    vector = jax.lax.stop_gradient(x)
    # nearest codebook entry: (vector.unsqueeze(1) - emb.unsqueeze(0))**2 .sum(-1).argmin(-1)
    d = jnp.sum((vector[:, None, :] - emb[None, :, :]) ** 2, axis=-1)
    embedding_idx = jnp.argmin(d, axis=-1)
    # straight-through quantize: x + (emb[idx] - vector)
    quantize = x + (jnp.take(emb, embedding_idx, axis=0) - vector)
    # heads
    actions_outputs = quantize @ Wa.T + ba
    actions_prob = jax.nn.softmax(actions_outputs / TEMPERATURE, axis=-1)
    value = quantize @ Wv.T + bv
    return actions_prob, value

if __name__ == "__main__":
    import jax
    _d = setup_inputs()
    print(jax.jit(kernel)(*tuple(_d.values())))

</pallas_src>

<mosaic_0001>
#map = affine_map<(d0, d1) -> (0, 0)>
#map1 = affine_map<(d0, d1) -> (0)>
module attributes {stable_mosaic.version = 14 : i64} {
  func.func @_gather_body(%arg0: i32, %arg1: i32, %arg2: memref<512x512xf32, #tpu.memory_space<hbm>>, %arg3: memref<4096xi32, #tpu.memory_space<hbm>>, %arg4: memref<4096x512xf32, #tpu.memory_space<hbm>>, %arg5: memref<128xi32, #tpu.memory_space<vmem>>, %arg6: memref<128x512xf32, #tpu.memory_space<vmem>>, %arg7: memref<!tpu.dma_semaphore, #tpu.memory_space<semaphore_mem>>) attributes {dimension_semantics = [#tpu.dimension_semantics<core_parallel>, #tpu.dimension_semantics<subcore_parallel>], iteration_bounds = array<i64: 2, 16>, scalar_prefetch = 0 : i64, scratch_operands = 3 : i64, tpu.core_type = #tpu.core_type<sc_vector_subcore>, window_params = [{transform_indices = #map}, {transform_indices = #map1}, {transform_indices = #map}]} {
    %mul3A = arith.constant 2 : i32
    %mul3A_0 = arith.muli %arg1, %mul3A : i32
    %add3A = arith.addi %mul3A_0, %arg0 : i32
    %mul3A_1 = arith.constant 128 : i32
    %mul3A_2 = arith.muli %add3A, %mul3A_1 : i32
    "tpu.region"() ({
      %run_scoped3A = tpu.sem_alloc : memref<!tpu.dma_semaphore, #tpu.memory_space<semaphore_mem>>
      %dma_start3A_7 = tpu.memref_slice %arg3[%mul3A_2] : memref<4096xi32, #tpu.memory_space<hbm>> -> memref<128xi32, #tpu.memory_space<hbm>>
      %dma_start3A_8 = tpu.memref_slice %arg3[%mul3A_2] : memref<4096xi32, #tpu.memory_space<hbm>> -> memref<128xi32, #tpu.memory_space<hbm>>
      tpu.enqueue_dma source(%dma_start3A_8 : memref<128xi32, #tpu.memory_space<hbm>>) target(%arg5 : memref<128xi32, #tpu.memory_space<vmem>>) target_semaphore(%run_scoped3A : memref<!tpu.dma_semaphore, #tpu.memory_space<semaphore_mem>>)
      %dma_wait3A_9 = tpu.memref_slice %arg3[%mul3A_2] : memref<4096xi32, #tpu.memory_space<hbm>> -> memref<128xi32, #tpu.memory_space<hbm>>
      %dma_wait3A_10 = tpu.memref_slice %arg3[%mul3A_2] : memref<4096xi32, #tpu.memory_space<hbm>> -> memref<128xi32, #tpu.memory_space<hbm>>
      tpu.wait_dma2 semaphore(%run_scoped3A : memref<!tpu.dma_semaphore, #tpu.memory_space<semaphore_mem>>) src(%dma_wait3A_10 : memref<128xi32, #tpu.memory_space<hbm>>) dst(%arg5 : memref<128xi32, #tpu.memory_space<vmem>>)
      tpu.yield
    }) : () -> ()
    %dma_start3A = arith.constant 0 : i32
    %dma_start3A_3 = arith.constant 0 : i32
    %dma_start3A_4 = tpu.memref_slice %arg2[%dma_start3A, %dma_start3A_3] : memref<512x512xf32, #tpu.memory_space<hbm>> -> memref<512x512xf32, #tpu.memory_space<hbm>>
    tpu.enqueue_indirect_dma source(%dma_start3A_4 : memref<512x512xf32, #tpu.memory_space<hbm>>) target(%arg6 : memref<128x512xf32, #tpu.memory_space<vmem>>) offsets(%arg5 : memref<128xi32, #tpu.memory_space<vmem>>) semaphore(%arg7 : memref<!tpu.dma_semaphore, #tpu.memory_space<semaphore_mem>>)
    %dma_wait3A = arith.constant 0 : i32
    %dma_wait3A_5 = arith.constant 0 : i32
    %dma_wait3A_6 = tpu.memref_slice %arg2[%dma_wait3A, %dma_wait3A_5] : memref<512x512xf32, #tpu.memory_space<hbm>> -> memref<512x512xf32, #tpu.memory_space<hbm>>
    tpu.wait_indirect_dma semaphore(%arg7 : memref<!tpu.dma_semaphore, #tpu.memory_space<semaphore_mem>>) src(%dma_wait3A_6 : memref<512x512xf32, #tpu.memory_space<hbm>>) dst(%arg6 : memref<128x512xf32, #tpu.memory_space<vmem>>)
    "tpu.region"() ({
      %run_scoped3A = tpu.sem_alloc : memref<!tpu.dma_semaphore, #tpu.memory_space<semaphore_mem>>
      %dma_start3A_7 = arith.constant 0 : i32
      %dma_start3A_8 = tpu.memref_slice %arg4[%mul3A_2, %dma_start3A_7] : memref<4096x512xf32, #tpu.memory_space<hbm>> -> memref<128x512xf32, #tpu.memory_space<hbm>>
      %dma_start3A_9 = arith.constant 0 : i32
      %dma_start3A_10 = tpu.memref_slice %arg4[%mul3A_2, %dma_start3A_9] : memref<4096x512xf32, #tpu.memory_space<hbm>> -> memref<128x512xf32, #tpu.memory_space<hbm>>
      tpu.enqueue_dma source(%arg6 : memref<128x512xf32, #tpu.memory_space<vmem>>) target(%dma_start3A_10 : memref<128x512xf32, #tpu.memory_space<hbm>>) target_semaphore(%run_scoped3A : memref<!tpu.dma_semaphore, #tpu.memory_space<semaphore_mem>>)
      %dma_wait3A_11 = arith.constant 0 : i32
      %dma_wait3A_12 = tpu.memref_slice %arg4[%mul3A_2, %dma_wait3A_11] : memref<4096x512xf32, #tpu.memory_space<hbm>> -> memref<128x512xf32, #tpu.memory_space<hbm>>
      %dma_wait3A_13 = arith.constant 0 : i32
      %dma_wait3A_14 = tpu.memref_slice %arg4[%mul3A_2, %dma_wait3A_13] : memref<4096x512xf32, #tpu.memory_space<hbm>> -> memref<128x512xf32, #tpu.memory_space<hbm>>
      tpu.wait_dma2 semaphore(%run_scoped3A : memref<!tpu.dma_semaphore, #tpu.memory_space<semaphore_mem>>) src(%arg6 : memref<128x512xf32, #tpu.memory_space<vmem>>) dst(%dma_wait3A_14 : memref<128x512xf32, #tpu.memory_space<hbm>>)
      tpu.yield
    }) : () -> ()
    return
  }
}

module attributes {stable_mosaic.version = 14 : i64} {
  func.func @_mlp_body(%arg0: i32, %arg1: memref<256x512xf32, #tpu.memory_space<vmem>>, %arg2: memref<128x512xf32, #tpu.memory_space<vmem>>, %arg3: memref<1x128xf32, #tpu.memory_space<vmem>>, %arg4: memref<128x128xf32, #tpu.memory_space<vmem>>, %arg5: memref<1x128xf32, #tpu.memory_space<vmem>>, %arg6: memref<128x128xf32, #tpu.memory_space<vmem>>, %arg7: memref<1x128xf32, #tpu.memory_space<vmem>>, %arg8: memref<512x128xf32, #tpu.memory_space<vmem>>, %arg9: memref<1x512xf32, #tpu.memory_space<vmem>>, %arg10: memref<256x128xf32, #tpu.memory_space<vmem>>, %arg11: memref<256x1xi32, #tpu.memory_space<vmem>>, %arg12: memref<256x1xi32, #tpu.memory_space<vmem>>) attributes {dimension_semantics = [#tpu.dimension_semantics<arbitrary>], iteration_bounds = array<i64: 16>, scalar_prefetch = 0 : i64, scratch_operands = 0 : i64, tpu.core_type = #tpu.core_type<tc>, window_params = [{transform_indices = @transform_0, window_bounds = array<i64: 256, 512>}, {pipeline_mode = #tpu.pipeline_mode<synchronous>, transform_indices = @transform_1, window_bounds = array<i64: 128, 512>}, {pipeline_mode = #tpu.pipeline_mode<synchronous>, transform_indices = @transform_2, window_bounds = array<i64: 1, 128>}, {pipeline_mode = #tpu.pipeline_mode<synchronous>, transform_indices = @transform_3, window_bounds = array<i64: 128, 128>}, {pipeline_mode = #tpu.pipeline_mode<synchronous>, transform_indices = @transform_4, window_bounds = array<i64: 1, 128>}, {pipeline_mode = #tpu.pipeline_mode<synchronous>, transform_indices = @transform_5, window_bounds = array<i64: 128, 128>}, {pipeline_mode = #tpu.pipeline_mode<synchronous>, transform_indices = @transform_6, window_bounds = array<i64: 1, 128>}, {pipeline_mode = #tpu.pipeline_mode<synchronous>, transform_indices = @transform_7, window_bounds = array<i64: 512, 128>}, {pipeline_mode = #tpu.pipeline_mode<synchronous>, transform_indices = @transform_8, window_bounds = array<i64: 1, 512>}, {transform_indices = @transform_9, window_bounds = array<i64: 256, 128>}, {transform_indices = @transform_10, window_bounds = array<i64: 256, 1>}, {transform_indices = @transform_11, window_bounds = array<i64: 256, 1>}]} {
    %get3A = arith.constant 0 : index
    %get3A_0 = arith.constant 0 : index
    %get3A_1 = vector.load %arg1[%get3A, %get3A_0] : memref<256x512xf32, #tpu.memory_space<vmem>>, vector<256x512xf32>
    %get3A_2 = arith.constant 0 : index
    %get3A_3 = arith.constant 0 : index
    %get3A_4 = vector.load %arg2[%get3A_2, %get3A_3] : memref<128x512xf32, #tpu.memory_space<vmem>>, vector<128x512xf32>
    %dot_general3A = arith.constant dense<0.000000e+00> : vector<256x128xf32>
    %dot_general3A_5 = tpu.matmul %get3A_1, %get3A_4, %dot_general3A {dimension_numbers = #tpu.dot_dimension_numbers<[1], [1], [0], [0], [0, 0, 1, 0], [], []>, transpose_lhs_hint = false} : vector<256x512xf32>, vector<128x512xf32>, vector<256x128xf32> -> vector<256x128xf32>
    %get3A_6 = arith.constant 0 : index
    %get3A_7 = arith.constant 0 : index
    %get3A_8 = vector.load %arg3[%get3A_6, %get3A_7] : memref<1x128xf32, #tpu.memory_space<vmem>>, vector<1x128xf32>
    %add3A = vector.broadcast %get3A_8 : vector<1x128xf32> to vector<256x128xf32>
    %add3A_9 = arith.addf %dot_general3A_5, %add3A : vector<256x128xf32>
    %max3A = arith.constant 0.000000e+00 : f32
    %max3A_10 = vector.broadcast %max3A : f32 to vector<256x128xf32>
    %max3A_11 = arith.maximumf %add3A_9, %max3A_10 : vector<256x128xf32>
    %get3A_12 = arith.constant 0 : index
    %get3A_13 = arith.constant 0 : index
    %get3A_14 = vector.load %arg4[%get3A_12, %get3A_13] : memref<128x128xf32, #tpu.memory_space<vmem>>, vector<128x128xf32>
    %dot_general3A_15 = arith.constant dense<0.000000e+00> : vector<256x128xf32>
    %dot_general3A_16 = tpu.matmul %max3A_11, %get3A_14, %dot_general3A_15 {dimension_numbers = #tpu.dot_dimension_numbers<[1], [1], [0], [0], [0, 0, 1, 0], [], []>, transpose_lhs_hint = false} : vector<256x128xf32>, vector<128x128xf32>, vector<256x128xf32> -> vector<256x128xf32>
    %get3A_17 = arith.constant 0 : index
    %get3A_18 = arith.constant 0 : index
    %get3A_19 = vector.load %arg5[%get3A_17, %get3A_18] : memref<1x128xf32, #tpu.memory_space<vmem>>, vector<1x128xf32>
    %add3A_20 = vector.broadcast %get3A_19 : vector<1x128xf32> to vector<256x128xf32>
    %add3A_21 = arith.addf %dot_general3A_16, %add3A_20 : vector<256x128xf32>
    %max3A_22 = arith.constant 0.000000e+00 : f32
    %max3A_23 = vector.broadcast %max3A_22 : f32 to vector<256x128xf32>
    %max3A_24 = arith.maximumf %add3A_21, %max3A_23 : vector<256x128xf32>
    %get3A_25 = arith.constant 0 : index
    %get3A_26 = arith.constant 0 : index
    %get3A_27 = vector.load %arg6[%get3A_25, %get3A_26] : memref<128x128xf32, #tpu.memory_space<vmem>>, vector<128x128xf32>
    %dot_general3A_28 = arith.constant dense<0.000000e+00> : vector<256x128xf32>
    %dot_general3A_29 = tpu.matmul %max3A_24, %get3A_27, %dot_general3A_28 {dimension_numbers = #tpu.dot_dimension_numbers<[1], [1], [0], [0], [0, 0, 1, 0], [], []>, transpose_lhs_hint = false} : vector<256x128xf32>, vector<128x128xf32>, vector<256x128xf32> -> vector<256x128xf32>
    %get3A_30 = arith.constant 0 : index
    %get3A_31 = arith.constant 0 : index
    %get3A_32 = vector.load %arg7[%get3A_30, %get3A_31] : memref<1x128xf32, #tpu.memory_space<vmem>>, vector<1x128xf32>
    %add3A_33 = vector.broadcast %get3A_32 : vector<1x128xf32> to vector<256x128xf32>
    %add3A_34 = arith.addf %dot_general3A_29, %add3A_33 : vector<256x128xf32>
    %max3A_35 = arith.constant 0.000000e+00 : f32
    %max3A_36 = vector.broadcast %max3A_35 : f32 to vector<256x128xf32>
    %max3A_37 = arith.maximumf %add3A_34, %max3A_36 : vector<256x128xf32>
    %swap3A = arith.constant 0 : index
    %swap3A_38 = arith.constant 0 : index
    %swap3A_39 = vector.load %arg10[%swap3A, %swap3A_38] : memref<256x128xf32, #tpu.memory_space<vmem>>, vector<256x128xf32>
    tpu.vector_store %arg10[%swap3A, %swap3A_38], %max3A_37 {strides = array<i32>} : memref<256x128xf32, #tpu.memory_space<vmem>>, vector<256x128xf32>,
    %get3A_40 = arith.constant 0 : index
    %get3A_41 = arith.constant 0 : index
    %get3A_42 = vector.load %arg8[%get3A_40, %get3A_41] : memref<512x128xf32, #tpu.memory_space<vmem>>, vector<512x128xf32>
    %dot_general3A_43 = arith.constant dense<0.000000e+00> : vector<256x512xf32>
    %dot_general3A_44 = tpu.matmul %max3A_37, %get3A_42, %dot_general3A_43 {dimension_numbers = #tpu.dot_dimension_numbers<[1], [1], [0], [0], [0, 0, 1, 0], [], []>, transpose_lhs_hint = false} : vector<256x128xf32>, vector<512x128xf32>, vector<256x512xf32> -> vector<256x512xf32>
    %get3A_45 = arith.constant 0 : index
    %get3A_46 = arith.constant 0 : index
    %get3A_47 = vector.load %arg9[%get3A_45, %get3A_46] : memref<1x512xf32, #tpu.memory_space<vmem>>, vector<1x512xf32>
    %add3A_48 = vector.broadcast %get3A_47 : vector<1x512xf32> to vector<256x512xf32>
    %add3A_49 = arith.addf %dot_general3A_44, %add3A_48 : vector<256x512xf32>
    %iota3A = tpu.iota {dimensions = array<i32: 1>} : vector<256x512xi32>
    %reduce_max3A = arith.constant dense<0xFF800000> : vector<256xf32>
    %reduce_max3A_50 = vector.multi_reduction <maximumf>, %add3A_49, %reduce_max3A [1] : vector<256x512xf32> to vector<256xf32>
    %broadcast_in_dim3A = vector.shape_cast %reduce_max3A_50 : vector<256xf32> to vector<256x1xf32>
    %eq3A = vector.broadcast %broadcast_in_dim3A : vector<256x1xf32> to vector<256x512xf32>
    %eq3A_51 = arith.cmpf oeq, %add3A_49, %eq3A : vector<256x512xf32>
    %jit3A = arith.constant 512 : i32
    %broadcast_in_dim3A_52 = vector.broadcast %jit3A : i32 to vector<256x512xi32>
    %select_n3A = arith.select %eq3A_51, %iota3A, %broadcast_in_dim3A_52 : vector<256x512xi1>, vector<256x512xi32>
    %reduce_min3A = arith.constant dense<2147483647> : vector<256xi32>
    %reduce_min3A_53 = vector.multi_reduction <minsi>, %select_n3A, %reduce_min3A [1] : vector<256x512xi32> to vector<256xi32>
    %broadcast_in_dim3A_54 = vector.shape_cast %reduce_min3A_53 : vector<256xi32> to vector<256x1xi32>
    %swap3A_55 = arith.constant 0 : index
    %swap3A_56 = arith.constant 0 : index
    %swap3A_57 = vector.load %arg11[%swap3A_55, %swap3A_56] : memref<256x1xi32, #tpu.memory_space<vmem>>, vector<256x1xi32>
    tpu.vector_store %arg11[%swap3A_55, %swap3A_56], %broadcast_in_dim3A_54 {strides = array<i32>} : memref<256x1xi32, #tpu.memory_space<vmem>>, vector<256x1xi32>,
    %eq3A_58 = vector.broadcast %broadcast_in_dim3A_54 : vector<256x1xi32> to vector<256x512xi32>
    %eq3A_59 = arith.cmpi eq, %iota3A, %eq3A_58 : vector<256x512xi32>
    %jit3A_60 = arith.constant -3.000000e+38 : f32
    %broadcast_in_dim3A_61 = vector.broadcast %jit3A_60 : f32 to vector<256x512xf32>
    %select_n3A_62 = arith.select %eq3A_59, %broadcast_in_dim3A_61, %add3A_49 : vector<256x512xi1>, vector<256x512xf32>
    %reduce_max3A_63 = arith.constant dense<0xFF800000> : vector<256xf32>
    %reduce_max3A_64 = vector.multi_reduction <maximumf>, %select_n3A_62, %reduce_max3A_63 [1] : vector<256x512xf32> to vector<256xf32>
    %broadcast_in_dim3A_65 = vector.shape_cast %reduce_max3A_64 : vector<256xf32> to vector<256x1xf32>
    %eq3A_66 = vector.broadcast %broadcast_in_dim3A_65 : vector<256x1xf32> to vector<256x512xf32>
    %eq3A_67 = arith.cmpf oeq, %select_n3A_62, %eq3A_66 : vector<256x512xf32>
    %jit3A_68 = arith.constant 512 : i32
    %broadcast_in_dim3A_69 = vector.broadcast %jit3A_68 : i32 to vector<256x512xi32>
    %select_n3A_70 = arith.select %eq3A_67, %iota3A, %broadcast_in_dim3A_69 : vector<256x512xi1>, vector<256x512xi32>
    %reduce_min3A_71 = arith.constant dense<2147483647> : vector<256xi32>
    %reduce_min3A_72 = vector.multi_reduction <minsi>, %select_n3A_70, %reduce_min3A_71 [1] : vector<256x512xi32> to vector<256xi32>
    %broadcast_in_dim3A_73 = vector.shape_cast %reduce_min3A_72 : vector<256xi32> to vector<256x1xi32>
    %swap3A_74 = arith.constant 0 : index
    %swap3A_75 = arith.constant 0 : index
    %swap3A_76 = vector.load %arg12[%swap3A_74, %swap3A_75] : memref<256x1xi32, #tpu.memory_space<vmem>>, vector<256x1xi32>
    tpu.vector_store %arg12[%swap3A_74, %swap3A_75], %broadcast_in_dim3A_73 {strides = array<i32>} : memref<256x1xi32, #tpu.memory_space<vmem>>, vector<256x1xi32>,
    return
  }
  func.func @transform_0(%arg0: i32) -> (i32, i32) {
    %c0_i32 = arith.constant 0 : i32
    %c0_i32_0 = arith.constant 0 : i32
    return %arg0, %c0_i32 : i32, i32
  }
  func.func @transform_1(%arg0: i32) -> (i32, i32) {
    %c0_i32 = arith.constant 0 : i32
    %c0_i32_0 = arith.constant 0 : i32
    %c0_i32_1 = arith.constant 0 : i32
    return %c0_i32, %c0_i32_0 : i32, i32
  }
  func.func @transform_2(%arg0: i32) -> (i32, i32) {
    %c0_i32 = arith.constant 0 : i32
    %c0_i32_0 = arith.constant 0 : i32
    %c0_i32_1 = arith.constant 0 : i32
    return %c0_i32, %c0_i32_0 : i32, i32
  }
  func.func @transform_3(%arg0: i32) -> (i32, i32) {
    %c0_i32 = arith.constant 0 : i32
    %c0_i32_0 = arith.constant 0 : i32
    %c0_i32_1 = arith.constant 0 : i32
    return %c0_i32, %c0_i32_0 : i32, i32
  }
  func.func @transform_4(%arg0: i32) -> (i32, i32) {
    %c0_i32 = arith.constant 0 : i32
    %c0_i32_0 = arith.constant 0 : i32
    %c0_i32_1 = arith.constant 0 : i32
    return %c0_i32, %c0_i32_0 : i32, i32
  }
  func.func @transform_5(%arg0: i32) -> (i32, i32) {
    %c0_i32 = arith.constant 0 : i32
    %c0_i32_0 = arith.constant 0 : i32
    %c0_i32_1 = arith.constant 0 : i32
    return %c0_i32, %c0_i32_0 : i32, i32
  }
  func.func @transform_6(%arg0: i32) -> (i32, i32) {
    %c0_i32 = arith.constant 0 : i32
    %c0_i32_0 = arith.constant 0 : i32
    %c0_i32_1 = arith.constant 0 : i32
    return %c0_i32, %c0_i32_0 : i32, i32
  }
  func.func @transform_7(%arg0: i32) -> (i32, i32) {
    %c0_i32 = arith.constant 0 : i32
    %c0_i32_0 = arith.constant 0 : i32
    %c0_i32_1 = arith.constant 0 : i32
    return %c0_i32, %c0_i32_0 : i32, i32
  }
  func.func @transform_8(%arg0: i32) -> (i32, i32) {
    %c0_i32 = arith.constant 0 : i32
    %c0_i32_0 = arith.constant 0 : i32
    %c0_i32_1 = arith.constant 0 : i32
    return %c0_i32, %c0_i32_0 : i32, i32
  }
  func.func @transform_9(%arg0: i32) -> (i32, i32) {
    %c0_i32 = arith.constant 0 : i32
    %c0_i32_0 = arith.constant 0 : i32
    return %arg0, %c0_i32 : i32, i32
  }
  func.func @transform_10(%arg0: i32) -> (i32, i32) {
    %c0_i32 = arith.constant 0 : i32
    %c0_i32_0 = arith.constant 0 : i32
    return %arg0, %c0_i32 : i32, i32
  }
  func.func @transform_11(%arg0: i32) -> (i32, i32) {
    %c0_i32 = arith.constant 0 : i32
    %c0_i32_0 = arith.constant 0 : i32
    return %arg0, %c0_i32 : i32, i32
  }
}

module attributes {stable_mosaic.version = 14 : i64} {
  func.func @_tables_body(%arg0: memref<512x128xf32, #tpu.memory_space<vmem>>, %arg1: memref<512x128xf32, #tpu.memory_space<vmem>>, %arg2: memref<1x512xf32, #tpu.memory_space<vmem>>, %arg3: memref<1x128xf32, #tpu.memory_space<vmem>>, %arg4: memref<1x1xf32, #tpu.memory_space<vmem>>, %arg5: memref<512x512xf32, #tpu.memory_space<vmem>>, %arg6: memref<1x512xf32, #tpu.memory_space<vmem>>, %arg7: memref<512x1xf32, #tpu.memory_space<vmem>>) attributes {dimension_semantics = [], scalar_prefetch = 0 : i64, scratch_operands = 0 : i64, tpu.core_type = #tpu.core_type<tc>} {
    %get3A = arith.constant 0 : index
    %get3A_0 = arith.constant 0 : index
    %get3A_1 = vector.load %arg0[%get3A, %get3A_0] : memref<512x128xf32, #tpu.memory_space<vmem>>, vector<512x128xf32>
    %get3A_2 = arith.constant 0 : index
    %get3A_3 = arith.constant 0 : index
    %get3A_4 = vector.load %arg1[%get3A_2, %get3A_3] : memref<512x128xf32, #tpu.memory_space<vmem>>, vector<512x128xf32>
    %dot_general3A = arith.constant dense<0.000000e+00> : vector<512x512xf32>
    %dot_general3A_5 = tpu.matmul %get3A_1, %get3A_4, %dot_general3A {dimension_numbers = #tpu.dot_dimension_numbers<[1], [1], [0], [0], [0, 0, 1, 0], [], []>, precision = #tpu.contract_precision<fp32>, transpose_lhs_hint = false} : vector<512x128xf32>, vector<512x128xf32>, vector<512x512xf32> -> vector<512x512xf32>
    %get3A_6 = arith.constant 0 : index
    %get3A_7 = arith.constant 0 : index
    %get3A_8 = vector.load %arg2[%get3A_6, %get3A_7] : memref<1x512xf32, #tpu.memory_space<vmem>>, vector<1x512xf32>
    %add3A = vector.broadcast %get3A_8 : vector<1x512xf32> to vector<512x512xf32>
    %add3A_9 = arith.addf %dot_general3A_5, %add3A : vector<512x512xf32>
    %reduce_max3A = arith.constant dense<0xFF800000> : vector<512xf32>
    %reduce_max3A_10 = vector.multi_reduction <maximumf>, %add3A_9, %reduce_max3A [1] : vector<512x512xf32> to vector<512xf32>
    %max3A = arith.constant 0xFF800000 : f32
    %max3A_11 = vector.broadcast %max3A : f32 to vector<512xf32>
    %max3A_12 = arith.maximumf %max3A_11, %reduce_max3A_10 : vector<512xf32>
    %broadcast_in_dim3A = vector.shape_cast %max3A_12 : vector<512xf32> to vector<512x1xf32>
    %sub3A = vector.broadcast %broadcast_in_dim3A : vector<512x1xf32> to vector<512x512xf32>
    %sub3A_13 = arith.subf %add3A_9, %sub3A : vector<512x512xf32>
    %exp3A = math.exp %sub3A_13 : vector<512x512xf32>
    %reduce_sum3A = arith.constant dense<0.000000e+00> : vector<512xf32>
    %reduce_sum3A_14 = vector.multi_reduction <add>, %exp3A, %reduce_sum3A [1] : vector<512x512xf32> to vector<512xf32>
    %broadcast_in_dim3A_15 = vector.shape_cast %reduce_sum3A_14 : vector<512xf32> to vector<512x1xf32>
    %div3A = vector.broadcast %broadcast_in_dim3A_15 : vector<512x1xf32> to vector<512x512xf32>
    %div3A_16 = arith.divf %exp3A, %div3A : vector<512x512xf32>
    %swap3A = arith.constant 0 : index
    %swap3A_17 = arith.constant 0 : index
    %swap3A_18 = vector.load %arg5[%swap3A, %swap3A_17] : memref<512x512xf32, #tpu.memory_space<vmem>>, vector<512x512xf32>
    tpu.vector_store %arg5[%swap3A, %swap3A_17], %div3A_16 {strides = array<i32>} : memref<512x512xf32, #tpu.memory_space<vmem>>, vector<512x512xf32>,
    %get3A_19 = arith.constant 0 : index
    %get3A_20 = arith.constant 0 : index
    %get3A_21 = vector.load %arg3[%get3A_19, %get3A_20] : memref<1x128xf32, #tpu.memory_space<vmem>>, vector<1x128xf32>
    %dot_general3A_22 = arith.constant dense<0.000000e+00> : vector<1x512xf32>
    %dot_general3A_23 = tpu.matmul %get3A_21, %get3A_1, %dot_general3A_22 {dimension_numbers = #tpu.dot_dimension_numbers<[1], [1], [0], [0], [0, 0, 1, 0], [], []>, transpose_lhs_hint = false} : vector<1x128xf32>, vector<512x128xf32>, vector<1x512xf32> -> vector<1x512xf32>
    %get3A_24 = arith.constant 0 : index
    %get3A_25 = arith.constant 0 : index
    %get3A_26 = vector.load %arg4[%get3A_24, %get3A_25] : memref<1x1xf32, #tpu.memory_space<vmem>>, vector<1x1xf32>
    %get3A_27 = vector.extract %get3A_26[0, 0] : f32 from vector<1x1xf32>
    %add3A_28 = vector.broadcast %get3A_27 : f32 to vector<1x512xf32>
    %add3A_29 = arith.addf %dot_general3A_23, %add3A_28 : vector<1x512xf32>
    %swap3A_30 = arith.constant 0 : index
    %swap3A_31 = arith.constant 0 : index
    %swap3A_32 = vector.load %arg6[%swap3A_30, %swap3A_31] : memref<1x512xf32, #tpu.memory_space<vmem>>, vector<1x512xf32>
    tpu.vector_store %arg6[%swap3A_30, %swap3A_31], %add3A_29 {strides = array<i32>} : memref<1x512xf32, #tpu.memory_space<vmem>>, vector<1x512xf32>,
    %mul3A = arith.mulf %get3A_1, %get3A_1 : vector<512x128xf32>
    %reduce_sum3A_33 = arith.constant dense<0.000000e+00> : vector<512xf32>
    %reduce_sum3A_34 = vector.multi_reduction <add>, %mul3A, %reduce_sum3A_33 [1] : vector<512x128xf32> to vector<512xf32>
    %broadcast_in_dim3A_35 = vector.shape_cast %reduce_sum3A_34 : vector<512xf32> to vector<512x1xf32>
    %swap3A_36 = arith.constant 0 : index
    %swap3A_37 = arith.constant 0 : index
    %swap3A_38 = vector.load %arg7[%swap3A_36, %swap3A_37] : memref<512x1xf32, #tpu.memory_space<vmem>>, vector<512x1xf32>
    tpu.vector_store %arg7[%swap3A_36, %swap3A_37], %broadcast_in_dim3A_35 {strides = array<i32>} : memref<512x1xf32, #tpu.memory_space<vmem>>, vector<512x1xf32>,
    return
  }
}

module attributes {stable_mosaic.version = 14 : i64} {
  func.func @_refine_body(%arg0: i32, %arg1: memref<128x512xf32, #tpu.memory_space<vmem>>, %arg2: memref<128x512xf32, #tpu.memory_space<vmem>>, %arg3: memref<1x512xf32, #tpu.memory_space<vmem>>, %arg4: memref<1x1x512xi32, #tpu.memory_space<vmem>>, %arg5: memref<1x1x512xi32, #tpu.memory_space<vmem>>, %arg6: memref<1x1x512xi32, #tpu.memory_space<vmem>>, %arg7: memref<1x1x512xf32, #tpu.memory_space<vmem>>) attributes {dimension_semantics = [#tpu.dimension_semantics<arbitrary>], iteration_bounds = array<i64: 8>, scalar_prefetch = 0 : i64, scratch_operands = 0 : i64, tpu.core_type = #tpu.core_type<tc>, window_params = [{transform_indices = @transform_0, window_bounds = array<i64: 128, 512>}, {pipeline_mode = #tpu.pipeline_mode<synchronous>, transform_indices = @transform_1, window_bounds = array<i64: 128, 512>}, {pipeline_mode = #tpu.pipeline_mode<synchronous>, transform_indices = @transform_2, window_bounds = array<i64: 1, 512>}, {transform_indices = @transform_3, window_bounds = array<i64: 1, 1, 512>}, {transform_indices = @transform_4, window_bounds = array<i64: 1, 1, 512>}, {transform_indices = @transform_5, window_bounds = array<i64: 1, 1, 512>}, {transform_indices = @transform_6, window_bounds = array<i64: 1, 1, 512>}]} {
    %get3A = arith.constant 0 : index
    %get3A_0 = arith.constant 0 : index
    %get3A_1 = vector.load %arg1[%get3A, %get3A_0] : memref<128x512xf32, #tpu.memory_space<vmem>>, vector<128x512xf32>
    %get3A_2 = arith.constant 0 : index
    %get3A_3 = arith.constant 0 : index
    %get3A_4 = arith.constant 0 : index
    %get3A_5 = vector.load %arg4[%get3A_2, %get3A_3, %get3A_4] : memref<1x1x512xi32, #tpu.memory_space<vmem>>, vector<1x1x512xi32>
    %get3A_6 = vector.shape_cast %get3A_5 : vector<1x1x512xi32> to vector<1x512xi32>
    %get3A_7 = arith.constant 0 : index
    %get3A_8 = arith.constant 0 : index
    %get3A_9 = arith.constant 0 : index
    %get3A_10 = vector.load %arg5[%get3A_7, %get3A_8, %get3A_9] : memref<1x1x512xi32, #tpu.memory_space<vmem>>, vector<1x1x512xi32>
    %get3A_11 = vector.shape_cast %get3A_10 : vector<1x1x512xi32> to vector<1x512xi32>
    %iota3A = tpu.iota {dimensions = array<i32: 0>} : vector<512x512xi32>
    %eq3A = vector.broadcast %get3A_6 : vector<1x512xi32> to vector<512x512xi32>
    %eq3A_12 = arith.cmpi eq, %iota3A, %eq3A : vector<512x512xi32>
    %jit3A = arith.constant 1.000000e+00 : f32
    %jit3A_13 = arith.constant 0.000000e+00 : f32
    %broadcast_in_dim3A = vector.broadcast %jit3A : f32 to vector<512x512xf32>
    %broadcast_in_dim3A_14 = vector.broadcast %jit3A_13 : f32 to vector<512x512xf32>
    %select_n3A = arith.select %eq3A_12, %broadcast_in_dim3A, %broadcast_in_dim3A_14 : vector<512x512xi1>, vector<512x512xf32>
    %get3A_15 = arith.constant 0 : index
    %get3A_16 = arith.constant 0 : index
    %get3A_17 = vector.load %arg2[%get3A_15, %get3A_16] : memref<128x512xf32, #tpu.memory_space<vmem>>, vector<128x512xf32>
    %dot_general3A = arith.constant dense<0.000000e+00> : vector<128x512xf32>
    %dot_general3A_18 = tpu.matmul %get3A_17, %select_n3A, %dot_general3A {dimension_numbers = #tpu.dot_dimension_numbers<[1], [0], [0], [1], [0, 0, 1, 1], [], []>, precision = #tpu.contract_precision<fp32>, transpose_lhs_hint = false} : vector<128x512xf32>, vector<512x512xf32>, vector<128x512xf32> -> vector<128x512xf32>
    %sub3A = arith.subf %get3A_1, %dot_general3A_18 : vector<128x512xf32>
    %integer_pow3A = arith.mulf %sub3A, %sub3A : vector<128x512xf32>
    %slice3A = vector.extract_strided_slice %integer_pow3A {offsets = [0, 0], sizes = [8, 512], strides = [1, 1]} : vector<128x512xf32> to vector<8x512xf32>
    %slice3A_19 = vector.extract_strided_slice %integer_pow3A {offsets = [8, 0], sizes = [8, 512], strides = [1, 1]} : vector<128x512xf32> to vector<8x512xf32>
    %add3A = arith.addf %slice3A, %slice3A_19 : vector<8x512xf32>
    %slice3A_20 = vector.extract_strided_slice %integer_pow3A {offsets = [16, 0], sizes = [8, 512], strides = [1, 1]} : vector<128x512xf32> to vector<8x512xf32>
    %add3A_21 = arith.addf %add3A, %slice3A_20 : vector<8x512xf32>
    %slice3A_22 = vector.extract_strided_slice %integer_pow3A {offsets = [24, 0], sizes = [8, 512], strides = [1, 1]} : vector<128x512xf32> to vector<8x512xf32>
    %add3A_23 = arith.addf %add3A_21, %slice3A_22 : vector<8x512xf32>
    %slice3A_24 = vector.extract_strided_slice %integer_pow3A {offsets = [32, 0], sizes = [8, 512], strides = [1, 1]} : vector<128x512xf32> to vector<8x512xf32>
    %add3A_25 = arith.addf %add3A_23, %slice3A_24 : vector<8x512xf32>
    %slice3A_26 = vector.extract_strided_slice %integer_pow3A {offsets = [40, 0], sizes = [8, 512], strides = [1, 1]} : vector<128x512xf32> to vector<8x512xf32>
    %add3A_27 = arith.addf %add3A_25, %slice3A_26 : vector<8x512xf32>
    %slice3A_28 = vector.extract_strided_slice %integer_pow3A {offsets = [48, 0], sizes = [8, 512], strides = [1, 1]} : vector<128x512xf32> to vector<8x512xf32>
    %add3A_29 = arith.addf %add3A_27, %slice3A_28 : vector<8x512xf32>
    %slice3A_30 = vector.extract_strided_slice %integer_pow3A {offsets = [56, 0], sizes = [8, 512], strides = [1, 1]} : vector<128x512xf32> to vector<8x512xf32>
    %add3A_31 = arith.addf %add3A_29, %slice3A_30 : vector<8x512xf32>
    %slice3A_32 = vector.extract_strided_slice %integer_pow3A {offsets = [64, 0], sizes = [8, 512], strides = [1, 1]} : vector<128x512xf32> to vector<8x512xf32>
    %add3A_33 = arith.addf %add3A_31, %slice3A_32 : vector<8x512xf32>
    %slice3A_34 = vector.extract_strided_slice %integer_pow3A {offsets = [72, 0], sizes = [8, 512], strides = [1, 1]} : vector<128x512xf32> to vector<8x512xf32>
    %add3A_35 = arith.addf %add3A_33, %slice3A_34 : vector<8x512xf32>
    %slice3A_36 = vector.extract_strided_slice %integer_pow3A {offsets = [80, 0], sizes = [8, 512], strides = [1, 1]} : vector<128x512xf32> to vector<8x512xf32>
    %add3A_37 = arith.addf %add3A_35, %slice3A_36 : vector<8x512xf32>
    %slice3A_38 = vector.extract_strided_slice %integer_pow3A {offsets = [88, 0], sizes = [8, 512], strides = [1, 1]} : vector<128x512xf32> to vector<8x512xf32>
    %add3A_39 = arith.addf %add3A_37, %slice3A_38 : vector<8x512xf32>
    %slice3A_40 = vector.extract_strided_slice %integer_pow3A {offsets = [96, 0], sizes = [8, 512], strides = [1, 1]} : vector<128x512xf32> to vector<8x512xf32>
    %add3A_41 = arith.addf %add3A_39, %slice3A_40 : vector<8x512xf32>
    %slice3A_42 = vector.extract_strided_slice %integer_pow3A {offsets = [104, 0], sizes = [8, 512], strides = [1, 1]} : vector<128x512xf32> to vector<8x512xf32>
    %add3A_43 = arith.addf %add3A_41, %slice3A_42 : vector<8x512xf32>
    %slice3A_44 = vector.extract_strided_slice %integer_pow3A {offsets = [112, 0], sizes = [8, 512], strides = [1, 1]} : vector<128x512xf32> to vector<8x512xf32>
    %add3A_45 = arith.addf %add3A_43, %slice3A_44 : vector<8x512xf32>
    %slice3A_46 = vector.extract_strided_slice %integer_pow3A {offsets = [120, 0], sizes = [8, 512], strides = [1, 1]} : vector<128x512xf32> to vector<8x512xf32>
    %add3A_47 = arith.addf %add3A_45, %slice3A_46 : vector<8x512xf32>
    %slice3A_48 = vector.extract_strided_slice %add3A_47 {offsets = [0, 0], sizes = [4, 512], strides = [1, 1]} : vector<8x512xf32> to vector<4x512xf32>
    %slice3A_49 = vector.extract_strided_slice %add3A_47 {offsets = [4, 0], sizes = [4, 512], strides = [1, 1]} : vector<8x512xf32> to vector<4x512xf32>
    %add3A_50 = arith.addf %slice3A_48, %slice3A_49 : vector<4x512xf32>
    %slice3A_51 = vector.extract_strided_slice %add3A_50 {offsets = [0, 0], sizes = [2, 512], strides = [1, 1]} : vector<4x512xf32> to vector<2x512xf32>
    %slice3A_52 = vector.extract_strided_slice %add3A_50 {offsets = [2, 0], sizes = [2, 512], strides = [1, 1]} : vector<4x512xf32> to vector<2x512xf32>
    %add3A_53 = arith.addf %slice3A_51, %slice3A_52 : vector<2x512xf32>
    %slice3A_54 = vector.extract_strided_slice %add3A_53 {offsets = [0, 0], sizes = [1, 512], strides = [1, 1]} : vector<2x512xf32> to vector<1x512xf32>
    %slice3A_55 = vector.extract_strided_slice %add3A_53 {offsets = [1, 0], sizes = [1, 512], strides = [1, 1]} : vector<2x512xf32> to vector<1x512xf32>
    %add3A_56 = arith.addf %slice3A_54, %slice3A_55 : vector<1x512xf32>
    %eq3A_57 = vector.broadcast %get3A_11 : vector<1x512xi32> to vector<512x512xi32>
    %eq3A_58 = arith.cmpi eq, %iota3A, %eq3A_57 : vector<512x512xi32>
    %jit3A_59 = arith.constant 1.000000e+00 : f32
    %jit3A_60 = arith.constant 0.000000e+00 : f32
    %broadcast_in_dim3A_61 = vector.broadcast %jit3A_59 : f32 to vector<512x512xf32>
    %broadcast_in_dim3A_62 = vector.broadcast %jit3A_60 : f32 to vector<512x512xf32>
    %select_n3A_63 = arith.select %eq3A_58, %broadcast_in_dim3A_61, %broadcast_in_dim3A_62 : vector<512x512xi1>, vector<512x512xf32>
    %get3A_64 = arith.constant 0 : index
    %get3A_65 = arith.constant 0 : index
    %get3A_66 = vector.load %arg2[%get3A_64, %get3A_65] : memref<128x512xf32, #tpu.memory_space<vmem>>, vector<128x512xf32>
    %dot_general3A_67 = arith.constant dense<0.000000e+00> : vector<128x512xf32>
    %dot_general3A_68 = tpu.matmul %get3A_66, %select_n3A_63, %dot_general3A_67 {dimension_numbers = #tpu.dot_dimension_numbers<[1], [0], [0], [1], [0, 0, 1, 1], [], []>, precision = #tpu.contract_precision<fp32>, transpose_lhs_hint = false} : vector<128x512xf32>, vector<512x512xf32>, vector<128x512xf32> -> vector<128x512xf32>
    %sub3A_69 = arith.subf %get3A_1, %dot_general3A_68 : vector<128x512xf32>
    %integer_pow3A_70 = arith.mulf %sub3A_69, %sub3A_69 : vector<128x512xf32>
    %slice3A_71 = vector.extract_strided_slice %integer_pow3A_70 {offsets = [0, 0], sizes = [8, 512], strides = [1, 1]} : vector<128x512xf32> to vector<8x512xf32>
    %slice3A_72 = vector.extract_strided_slice %integer_pow3A_70 {offsets = [8, 0], sizes = [8, 512], strides = [1, 1]} : vector<128x512xf32> to vector<8x512xf32>
    %add3A_73 = arith.addf %slice3A_71, %slice3A_72 : vector<8x512xf32>
    %slice3A_74 = vector.extract_strided_slice %integer_pow3A_70 {offsets = [16, 0], sizes = [8, 512], strides = [1, 1]} : vector<128x512xf32> to vector<8x512xf32>
    %add3A_75 = arith.addf %add3A_73, %slice3A_74 : vector<8x512xf32>
    %slice3A_76 = vector.extract_strided_slice %integer_pow3A_70 {offsets = [24, 0], sizes = [8, 512], strides = [1, 1]} : vector<128x512xf32> to vector<8x512xf32>
    %add3A_77 = arith.addf %add3A_75, %slice3A_76 : vector<8x512xf32>
    %slice3A_78 = vector.extract_strided_slice %integer_pow3A_70 {offsets = [32, 0], sizes = [8, 512], strides = [1, 1]} : vector<128x512xf32> to vector<8x512xf32>
    %add3A_79 = arith.addf %add3A_77, %slice3A_78 : vector<8x512xf32>
    %slice3A_80 = vector.extract_strided_slice %integer_pow3A_70 {offsets = [40, 0], sizes = [8, 512], strides = [1, 1]} : vector<128x512xf32> to vector<8x512xf32>
    %add3A_81 = arith.addf %add3A_79, %slice3A_80 : vector<8x512xf32>
    %slice3A_82 = vector.extract_strided_slice %integer_pow3A_70 {offsets = [48, 0], sizes = [8, 512], strides = [1, 1]} : vector<128x512xf32> to vector<8x512xf32>
    %add3A_83 = arith.addf %add3A_81, %slice3A_82 : vector<8x512xf32>
    %slice3A_84 = vector.extract_strided_slice %integer_pow3A_70 {offsets = [56, 0], sizes = [8, 512], strides = [1, 1]} : vector<128x512xf32> to vector<8x512xf32>
    %add3A_85 = arith.addf %add3A_83, %slice3A_84 : vector<8x512xf32>
    %slice3A_86 = vector.extract_strided_slice %integer_pow3A_70 {offsets = [64, 0], sizes = [8, 512], strides = [1, 1]} : vector<128x512xf32> to vector<8x512xf32>
    %add3A_87 = arith.addf %add3A_85, %slice3A_86 : vector<8x512xf32>
    %slice3A_88 = vector.extract_strided_slice %integer_pow3A_70 {offsets = [72, 0], sizes = [8, 512], strides = [1, 1]} : vector<128x512xf32> to vector<8x512xf32>
    %add3A_89 = arith.addf %add3A_87, %slice3A_88 : vector<8x512xf32>
    %slice3A_90 = vector.extract_strided_slice %integer_pow3A_70 {offsets = [80, 0], sizes = [8, 512], strides = [1, 1]} : vector<128x512xf32> to vector<8x512xf32>
    %add3A_91 = arith.addf %add3A_89, %slice3A_90 : vector<8x512xf32>
    %slice3A_92 = vector.extract_strided_slice %integer_pow3A_70 {offsets = [88, 0], sizes = [8, 512], strides = [1, 1]} : vector<128x512xf32> to vector<8x512xf32>
    %add3A_93 = arith.addf %add3A_91, %slice3A_92 : vector<8x512xf32>
    %slice3A_94 = vector.extract_strided_slice %integer_pow3A_70 {offsets = [96, 0], sizes = [8, 512], strides = [1, 1]} : vector<128x512xf32> to vector<8x512xf32>
    %add3A_95 = arith.addf %add3A_93, %slice3A_94 : vector<8x512xf32>
    %slice3A_96 = vector.extract_strided_slice %integer_pow3A_70 {offsets = [104, 0], sizes = [8, 512], strides = [1, 1]} : vector<128x512xf32> to vector<8x512xf32>
    %add3A_97 = arith.addf %add3A_95, %slice3A_96 : vector<8x512xf32>
    %slice3A_98 = vector.extract_strided_slice %integer_pow3A_70 {offsets = [112, 0], sizes = [8, 512], strides = [1, 1]} : vector<128x512xf32> to vector<8x512xf32>
    %add3A_99 = arith.addf %add3A_97, %slice3A_98 : vector<8x512xf32>
    %slice3A_100 = vector.extract_strided_slice %integer_pow3A_70 {offsets = [120, 0], sizes = [8, 512], strides = [1, 1]} : vector<128x512xf32> to vector<8x512xf32>
    %add3A_101 = arith.addf %add3A_99, %slice3A_100 : vector<8x512xf32>
    %slice3A_102 = vector.extract_strided_slice %add3A_101 {offsets = [0, 0], sizes = [4, 512], strides = [1, 1]} : vector<8x512xf32> to vector<4x512xf32>
    %slice3A_103 = vector.extract_strided_slice %add3A_101 {offsets = [4, 0], sizes = [4, 512], strides = [1, 1]} : vector<8x512xf32> to vector<4x512xf32>
    %add3A_104 = arith.addf %slice3A_102, %slice3A_103 : vector<4x512xf32>
    %slice3A_105 = vector.extract_strided_slice %add3A_104 {offsets = [0, 0], sizes = [2, 512], strides = [1, 1]} : vector<4x512xf32> to vector<2x512xf32>
    %slice3A_106 = vector.extract_strided_slice %add3A_104 {offsets = [2, 0], sizes = [2, 512], strides = [1, 1]} : vector<4x512xf32> to vector<2x512xf32>
    %add3A_107 = arith.addf %slice3A_105, %slice3A_106 : vector<2x512xf32>
    %slice3A_108 = vector.extract_strided_slice %add3A_107 {offsets = [0, 0], sizes = [1, 512], strides = [1, 1]} : vector<2x512xf32> to vector<1x512xf32>
    %slice3A_109 = vector.extract_strided_slice %add3A_107 {offsets = [1, 0], sizes = [1, 512], strides = [1, 1]} : vector<2x512xf32> to vector<1x512xf32>
    %add3A_110 = arith.addf %slice3A_108, %slice3A_109 : vector<1x512xf32>
    %lt3A = arith.cmpf olt, %add3A_56, %add3A_110 : vector<1x512xf32>
    %lt3A_111 = arith.cmpf olt, %add3A_110, %add3A_56 : vector<1x512xf32>
    %min3A = arith.minsi %get3A_6, %get3A_11 : vector<1x512xi32>
    %select_n3A_112 = arith.select %lt3A_111, %get3A_11, %min3A : vector<1x512xi1>, vector<1x512xi32>
    %select_n3A_113 = arith.select %lt3A, %get3A_6, %select_n3A_112 : vector<1x512xi1>, vector<1x512xi32>
    %swap3A = arith.constant 0 : index
    %swap3A_114 = arith.constant 0 : index
    %swap3A_115 = arith.constant 0 : index
    %swap3A_116 = vector.load %arg6[%swap3A, %swap3A_114, %swap3A_115] : memref<1x1x512xi32, #tpu.memory_space<vmem>>, vector<1x1x512xi32>
    %swap3A_117 = vector.shape_cast %swap3A_116 : vector<1x1x512xi32> to vector<1x512xi32>
    %swap3A_118 = vector.shape_cast %select_n3A_113 : vector<1x512xi32> to vector<1x1x512xi32>
    tpu.vector_store %arg6[%swap3A, %swap3A_114, %swap3A_115], %swap3A_118 {strides = array<i32>} : memref<1x1x512xi32, #tpu.memory_space<vmem>>, vector<1x1x512xi32>,
    %eq3A_119 = vector.broadcast %select_n3A_113 : vector<1x512xi32> to vector<512x512xi32>
    %eq3A_120 = arith.cmpi eq, %iota3A, %eq3A_119 : vector<512x512xi32>
    %jit3A_121 = arith.constant 1.000000e+00 : f32
    %jit3A_122 = arith.constant 0.000000e+00 : f32
    %broadcast_in_dim3A_123 = vector.broadcast %jit3A_121 : f32 to vector<512x512xf32>
    %broadcast_in_dim3A_124 = vector.broadcast %jit3A_122 : f32 to vector<512x512xf32>
    %select_n3A_125 = arith.select %eq3A_120, %broadcast_in_dim3A_123, %broadcast_in_dim3A_124 : vector<512x512xi1>, vector<512x512xf32>
    %get3A_126 = arith.constant 0 : index
    %get3A_127 = arith.constant 0 : index
    %get3A_128 = vector.load %arg3[%get3A_126, %get3A_127] : memref<1x512xf32, #tpu.memory_space<vmem>>, vector<1x512xf32>
    %dot_general3A_129 = arith.constant dense<0.000000e+00> : vector<1x512xf32>
    %dot_general3A_130 = tpu.matmul %get3A_128, %select_n3A_125, %dot_general3A_129 {dimension_numbers = #tpu.dot_dimension_numbers<[1], [0], [0], [1], [0, 0, 1, 1], [], []>, precision = #tpu.contract_precision<fp32>, transpose_lhs_hint = false} : vector<1x512xf32>, vector<512x512xf32>, vector<1x512xf32> -> vector<1x512xf32>
    %swap3A_131 = arith.constant 0 : index
    %swap3A_132 = arith.constant 0 : index
    %swap3A_133 = arith.constant 0 : index
    %swap3A_134 = vector.load %arg7[%swap3A_131, %swap3A_132, %swap3A_133] : memref<1x1x512xf32, #tpu.memory_space<vmem>>, vector<1x1x512xf32>
    %swap3A_135 = vector.shape_cast %swap3A_134 : vector<1x1x512xf32> to vector<1x512xf32>
    %swap3A_136 = vector.shape_cast %dot_general3A_130 : vector<1x512xf32> to vector<1x1x512xf32>
    tpu.vector_store %arg7[%swap3A_131, %swap3A_132, %swap3A_133], %swap3A_136 {strides = array<i32>} : memref<1x1x512xf32, #tpu.memory_space<vmem>>, vector<1x1x512xf32>,
    return
  }
  func.func @transform_0(%arg0: i32) -> (i32, i32) {
    %c0_i32 = arith.constant 0 : i32
    %c0_i32_0 = arith.constant 0 : i32
    return %c0_i32, %arg0 : i32, i32
  }
  func.func @transform_1(%arg0: i32) -> (i32, i32) {
    %c0_i32 = arith.constant 0 : i32
    %c0_i32_0 = arith.constant 0 : i32
    %c0_i32_1 = arith.constant 0 : i32
    return %c0_i32, %c0_i32_0 : i32, i32
  }
  func.func @transform_2(%arg0: i32) -> (i32, i32) {
    %c0_i32 = arith.constant 0 : i32
    %c0_i32_0 = arith.constant 0 : i32
    %c0_i32_1 = arith.constant 0 : i32
    return %c0_i32, %c0_i32_0 : i32, i32
  }
  func.func @transform_3(%arg0: i32) -> (i32, i32, i32) {
    %c0_i32 = arith.constant 0 : i32
    %c0_i32_0 = arith.constant 0 : i32
    %c0_i32_1 = arith.constant 0 : i32
    return %arg0, %c0_i32, %c0_i32_0 : i32, i32, i32
  }
  func.func @transform_4(%arg0: i32) -> (i32, i32, i32) {
    %c0_i32 = arith.constant 0 : i32
    %c0_i32_0 = arith.constant 0 : i32
    %c0_i32_1 = arith.constant 0 : i32
    return %arg0, %c0_i32, %c0_i32_0 : i32, i32, i32
  }
  func.func @transform_5(%arg0: i32) -> (i32, i32, i32) {
    %c0_i32 = arith.constant 0 : i32
    %c0_i32_0 = arith.constant 0 : i32
    %c0_i32_1 = arith.constant 0 : i32
    return %arg0, %c0_i32, %c0_i32_0 : i32, i32, i32
  }
  func.func @transform_6(%arg0: i32) -> (i32, i32, i32) {
    %c0_i32 = arith.constant 0 : i32
    %c0_i32_0 = arith.constant 0 : i32
    %c0_i32_1 = arith.constant 0 : i32
    return %arg0, %c0_i32, %c0_i32_0 : i32, i32, i32
  }
}

</mosaic_0001>

<sc_bundles>
// kernel: kernel.6.cloned.1.call-start
scs
__scs_entry_jumppad:
0x0: {  	(pc) =	sbr.rel $0x88, $3  }
0x1: {  	(tag) =	ssettag $0x0;
	lr =	simm.s32 $0x1  }
0x2: {  	[smem:$0x3F95] =	sst lr;
	_ =	strace $0xD0000000  }
0x3: {  	_ = 	snop  }
0x4: {  	_ = 	snop  }
0x5: {  	_ = 	snop  }
0x6: {  	_ = 	snop  }
0x7: {  	_ = 	snop  }
__scs_overlays_trampoline_lowered:
0x8: {  	[smem:$0x3FA4] =	sst s0  }
0x9: {  	[smem:$0x3FA5] =	sst s1  }
0xa: {  	[smem:$0x3FA6] =	sst s2  }
0xb: {  	[smem:$0x3FA7] =	sst s3  }
0xc: {  	[smem:$0x3FA8] =	sst s4  }
0xd: {  	[smem:$0x3FA9] =	sst s5  }
0xe: {  	[smem:$0x3FAA] =	sst s6  }
0xf: {  	[smem:$0x3FAB] =	sst s7  }
0x10: {  	[smem:$0x3FAC] =	sst s8  }
0x11: {  	[smem:$0x3FAD] =	sst s9;
	s0 =	simm.s32 @!p0 $0x0  }
0x12: {  	s1 =	sld [smem:$0x3F93];
	s0 =	simm.s32 @p0 $0x1  }
0x13: {  	[smem:$0x3FAE] =	sst s0;
	s0 =	simm.s32 @!p1 $0x0  }
0x14: {  	s2 =	sld [smem:$0x3F92];
	s0 =	simm.s32 @p1 $0x1  }
0x15: {  	[smem:$0x3FAF] =	sst s0;
	s0 =	simm.s32 @!p2 $0x0  }
0x16: {  	s3 =	sld [smem:$0x3FDB];
	s0 =	simm.s32 @p2 $0x1  }
0x17: {  	s4 =	simm.s32 $0x1BF5;
	[smem:$0x3FB1] =	sst s0  }
0x18: {  	s0 =	sld [smem:$0x3F94];
	_ =	swait.ge [sflag:s4], $0x0  }
0x19: {  	s7 =	sld [smem:$0x3F95]  }
0x1a: {  	s8 =	sadd.s32 $0xFFFFE003, lr  }
0x1b: {  	s9 =	sadd.s32 $0xFFFFFEF7, lr;
	s5 =	simm.s32 $0xFFFFFFFF;
	p2 =	slt.u32 s8, $0xFFFFF086  }
0x1c: {  	p1 =	slt.u32 s9, $0xF7A;
	s5 =	simm.s32 @!p2 $0x0  }
0x1d: {  	s5 =	simm.s32 @p1 $0x1;
	p0 =	seq.s32 s7, s2  }
0x1e: {  	s7 =	smul.u32 @!p0 $0xF7A, s2;
	p2 =	seq.s32 @!p0 s5, $0x0  }
0x1f: {  	s9 =	smul.u32 $0xF7A, s1;
	s8 =	simm.s32 @!p0 $0x1BF5;
	p2 =	por !p2, p0  }
0x20: {  	[sflag:s8] =	ssyncset.s32 @!p0 $0xFFFFF086;
	s6 =	sadd.s32 @!p0 s3, s7;
	s7 =	simm.s32 @!p0 $0x108  }
0x21: {  	s3 =	sadd.s32 s3, s9;
	s6 =	sadd.s32 @!p0 $0x88, s6;
	s7 =	simm.s32 @p2 $0x1082  }
0x22: {  	[simem:s7], [sflag:s8] =	dma.local @!p0 [hbm:s6], $0xF7A  }
0x23: {  	s9 =	sor.u32 $0xD0000000, s2;
	s6 =	simm.s32 $0x108;
	_ =	swait.ge @!p0 [sflag:s8], $0x0  }
0x24: {  	s3 =	sadd.s32 $0x88, s3;
	s6 =	simm.s32 @!p1 $0x1082;
	[sflag:s4] =	ssyncset.s32 $0xFFFFF086  }
0x25: {  	[simem:s6], [sflag:s4] =	dma.local [hbm:s3], $0xF7A  }
0x26: {  	[smem:$0x3F95] =	sst s1;
	(tag) =	ssettag s2;
	_ =	strace s9  }
0x27: {  	s1 =	sld [smem:$0x3FA5]  }
0x28: {  	s2 =	sld [smem:$0x3FA6]  }
0x29: {  	s4 =	sld [smem:$0x3FA8]  }
0x2a: {  	p0 =	seq.s32 s5, $0x0;
	s5 =	sld [smem:$0x3FA9]  }
0x2b: {  	s6 =	sld [smem:$0x3FAA]  }
0x2c: {  	s7 =	sld [smem:$0x3FAB]  }
0x2d: {  	s3 =	simm.s32 $0x108;
	s8 =	sld [smem:$0x3FAC]  }
0x2e: {  	s3 =	simm.s32 @!p0 $0x1082;
	s9 =	sld [smem:$0x3FAD]  }
0x2f: {  	lr =	sadd.s32 s0, s3;
	s0 =	sld [smem:$0x3FA4]  }
0x30: {  	s3 =	sld [smem:$0x3FA7]  }
0x31: {  	[smem:$0x3FB0] =	sst s10  }
0x32: {  	s10 =	sld [smem:$0x3FAE];
	_ =	sdelay $0x3  }
0x33: {  	p0 =	seq.s32 s10, $0x1;
	s10 =	sld [smem:$0x3FB0];
	_ =	sdelay $0x3  }
0x34: {  	[smem:$0x3FB0] =	sst s10  }
0x35: {  	s10 =	sld [smem:$0x3FAF];
	_ =	sdelay $0x3  }
0x36: {  	p1 =	seq.s32 s10, $0x1;
	s10 =	sld [smem:$0x3FB0];
	_ =	sdelay $0x3  }
0x37: {  	[smem:$0x3FB0] =	sst s10  }
0x38: {  	s10 =	sld [smem:$0x3FB1]  }
0x39: {  	_ = 	snop;
	(pc) =	sbr.ind lr, $3  }
0x3a: {  	_ = 	snop  }
0x3b: {  	_ = 	snop  }
0x3c: {  	p2 =	seq.s32 s10, $0x1;
	s10 =	sld [smem:$0x3FB0]  }
0x3d: {  	_ =	shalt  }
0x3e: {  	_ =	shalt  }
0x3f: {  	_ =	shalt  }
0x40: {  	_ =	shalt  }
0x41: {  	_ =	shalt  }
0x42: {  	_ =	shalt  }
0x43: {  	_ =	shalt  }
0x44: {  	_ =	shalt  }
0x45: {  	_ =	shalt  }
0x46: {  	_ =	shalt  }
0x47: {  	_ =	shalt  }
0x48: {  	_ =	shalt  }
0x49: {  	_ =	shalt  }
0x4a: {  	_ =	shalt  }
0x4b: {  	_ =	shalt  }
0x4c: {  	_ =	shalt  }
0x4d: {  	_ =	shalt  }
0x4e: {  	_ =	shalt  }
0x4f: {  	_ =	shalt  }
0x50: {  	_ =	shalt  }
0x51: {  	_ =	shalt  }
0x52: {  	_ =	shalt  }
0x53: {  	_ =	shalt  }
0x54: {  	_ =	shalt  }
0x55: {  	_ =	shalt  }
0x56: {  	_ =	shalt  }
0x57: {  	_ =	shalt  }
0x58: {  	_ =	shalt  }
0x59: {  	_ =	shalt  }
0x5a: {  	_ =	shalt  }
0x5b: {  	_ =	shalt  }
0x5c: {  	_ =	shalt  }
0x5d: {  	_ =	shalt  }
0x5e: {  	_ =	shalt  }
0x5f: {  	_ =	shalt  }
0x60: {  	_ =	shalt  }
0x61: {  	_ =	shalt  }
0x62: {  	_ =	shalt  }
0x63: {  	_ =	shalt  }
0x64: {  	_ =	shalt  }
0x65: {  	_ =	shalt  }
0x66: {  	_ =	shalt  }
0x67: {  	_ =	shalt  }
0x68: {  	_ =	shalt  }
0x69: {  	_ =	shalt  }
0x6a: {  	_ =	shalt  }
0x6b: {  	_ =	shalt  }
0x6c: {  	_ =	shalt  }
0x6d: {  	_ =	shalt  }
0x6e: {  	_ =	shalt  }
0x6f: {  	_ =	shalt  }
0x70: {  	_ =	shalt  }
0x71: {  	_ =	shalt  }
0x72: {  	_ =	shalt  }
0x73: {  	_ =	shalt  }
0x74: {  	_ =	shalt  }
0x75: {  	_ =	shalt  }
0x76: {  	_ =	shalt  }
0x77: {  	_ =	shalt  }
0x78: {  	_ =	shalt  }
0x79: {  	_ =	shalt  }
0x7a: {  	_ =	shalt  }
0x7b: {  	_ =	shalt  }
0x7c: {  	_ =	shalt  }
0x7d: {  	_ =	shalt  }
0x7e: {  	_ =	shalt  }
0x7f: {  	_ =	shalt  }
0x80: {  	_ =	shalt  }
0x81: {  	_ =	shalt  }
0x82: {  	_ =	shalt  }
0x83: {  	_ =	shalt  }
0x84: {  	_ =	shalt  }
0x85: {  	_ =	shalt  }
0x86: {  	_ =	shalt  }
0x87: {  	_ =	shalt  }
.Lfunc_end0:
.L_simem_size_0:
called_computation_lowered:
.L_overlay_start_0:
0x88: {  	s2 =	sld [smem:$0x3FD9]  }
0x89: {  	s3 =	sld [smem:$0x3FFE];
	_ =	sdelay $0x1  }
0x8a: {  	s1 =	srdreg.scid  }
0x8b: {  	s0 =	sand.u32 $0x1, s1  }
0x8c: {  	s14 =	sshll.u32 s0, $0xA;
	s2 =	sadd.s32 s3, s2  }
0x8d: {  	s2 =	sadd.s32 s2, s14  }
0x8e: {  	[smem:$0x3FBC] =	sst s2  }
0x8f: {  	_ = 	snop  }
0x90: {  	s2 =	sld [smem:$0x3FD0];
	_ =	sdelay $0x2  }
0x91: {  	s15 =	simm.s32 $0xA;
	s4 =	simm.s32 $0x10  }
0x92: {  	[smem:s4], [sflag:s15] =	dma.local [hbm:s2], $0x1  }
0x93: {  	_ =	swait.eq [sflag:s15], $0x1  }
0x94: {  	[sflag:s15] =	ssyncset.done $0x0  }
0x95: {  	[sflag:s15] =	ssyncadd.s32 $0xFFFFFFFF  }
0x96: {  	s16 =	sld [smem:$0x10];
	(tm) =	ssettm $0x1  }
0x97: {  	s17 =	sld [smem:$0x3FFB];
	_ =	sdelay $0x3  }
0x98: {  	_ =	strace s17  }
0x99: {  	s3 =	sld [smem:$0x3FFC];
	_ =	sdelay $0x3  }
0x9a: {  	_ =	strace s3  }
0x9b: {  	s3 =	sld [smem:$0x3FFD];
	_ =	sdelay $0x3  }
0x9c: {  	_ =	strace s3  }
0x9d: {  	_ =	strace $0x8FFFFFFF  }
0x9e: {  	s18 =	sld [smem:$0x3FDB];
	_ =	sdelay $0x1  }
0x9f: {  	s19 =	simm.s32 $_scs_section_size  }
0xa0: {  	s5 =	simm.s32 $_size__tile_overlayer_lowered;
	s6 =	simm.s32 $_tile_overlayer_lowered  }
0xa1: {  	s22 =	simm.s32 $0x1BFF;
	s21 =	sshll.u32 s6, $0x1;
	s3 =	sadd.s32 s19, s18  }
0xa2: {  	s7 =	simm.s32 $0x0;
	s20 =	sshll.u32 s5, $0x1;
	s5 =	sadd.s32 s21, s3  }
0xa3: {  	[timem:s7], [sflag:s22] =	dma.local [hbm:s5], s20  }
0xa4: {  	_ =	swait.ge [sflag:s22], s20  }
0xa5: {  	s4 =	ssub.s32 $0x0, s20;
	[sflag:s22] =	ssyncset.done $0x0  }
0xa6: {  	[sflag:s22] =	ssyncadd.s32 s4;
	_ =	sdelay $0x1  }
0xa7: {  	s23 =	simm.s32 $0x1B8B  }
0xa8: {  	_ =	swait.ge [sflag:s23], $0x1  }
0xa9: {  	[sflag:s23] =	ssyncset.done $0x0  }
0xaa: {  	s25 =	simm.s32 $0x1B8E;
	s24 =	sld [smem:$0x3FFE];
	[sflag:s23] =	ssyncadd.s32 $0xFFFFFFFF  }
0xab: {  	s26 =	simm.s32 $execute0_lowered;
	[smem:$0x3FD2] =	sst s25  }
0xac: {  	s5 =	sshll.u32 s26, $0x1;
	_ =	strace $0x80000046;
	[dreg:$0x1] =	wrdreg $0xFFFFFFFF  }
0xad: {  	s28 =	simm.s32 $_size_execute0_lowered;
	s3 =	sadd.s32 s3, s5;
	[dreg:$0x0] =	wrdreg $0x0  }
0xae: {  	s5 =	sshll.u32 s28, $0x1;
	[dreg:$0x2] =	wrdreg s3  }
0xaf: {  	[dreg:$0x3] =	wrdreg s5  }
0xb0: {  	[dreg:$0x4] =	wrdreg $0xC0  }
0xb1: {  	_ =	task [dreg:s7], $0x5FFFF  }
0xb2: {  	[dreg:$0x1] =	wrdreg $0xFFFFFFFF  }
0xb3: {  	[dreg:$0x0] =	wrdreg $0x60  }
0xb4: {  	[dreg:$0x2] =	wrdreg s24  }
0xb5: {  	[dreg:$0x3] =	wrdreg s16  }
0xb6: {  	[dreg:$0x4] =	wrdreg $0x9  }
0xb7: {  	_ =	task.clear_ibuf [dreg:s7], $0x5FFFF;
	_ =	strace $0x90000046  }
0xb8: {  	s29 =	simm.s32 $0x9;
	_ =	strace $0x80000048  }
0xb9: {  	_ =	swait.ge [sflag:s29], $0x1  }
0xba: {  	[sflag:s29] =	ssyncadd.s32 $0xFFFFFFFF  }
0xbb: {  	_ =	strace $0x90000048  }
0xbc: {  	_ =	sfence  }
0xbd: {  	s30 =	sld [smem:$0x0];
	_ =	sdelay $0x2  }
0xbe: {  	s31 =	sshll.u32 s1, $0xD;
	s1 =	sshrl.u32 s1, $0x2  }
0xbf: {  	s3 =	sand.u32 $0x4000, s31;
	s1 =	sadd.s32 s1, s30  }
0xc0: {  	s0 =	sor.u32 s3, s0;
	s1 =	sshll.u32 s1, $0x11  }
0xc1: {  	s0 =	sor.u32 s1, s0  }
0xc2: {  	s0 =	sadd.s32 $0x8F2B, s0  }
0xc3: {  	[sflag:s0] =	ssyncadd.remote.s32 $0x1  }
0xc4: {  	_ =	sfence.sel $0xFFFF  }
0xc5: {  	[dreg:$0x0] =	wrdreg $0xFFFFFFFF;
	(pc) =	sbr.abs _section_cstart, $3  }
0xc6: {  	[dreg:$0x1] =	wrdreg $0xFFFFFFFF  }
0xc7: {  	_ =	task.clear_ibuf [dreg:s7], $0x2FFFF;
	_ =	strace $0x9FFFFFFF  }
0xc8: {  	(tm) =	ssettm $0x7FFFFFFF  }
0xc9: {  	_ =	shalt  }
tec
execute0_lowered:
.L_overlay_start_1:
0x0: {  	(tag) =	ssettag $0x1  }
0x1: {  	s1 =	srdreg.scid;
	s4 =	rddreg [dreg:$0x0]  }
0x2: {  	s0 =	stileid.u32;
	s5 =	rddreg [dreg:$0x1];
	s18 =	simm.s32 $0x880  }
0x3: {  	s19 =	simm.s32 $0x1080;
	s20 =	simm.s32 $0x1880;
	s21 =	simm.s32 $0x2080  }
0x4: {  	s23 =	simm.s32 $0x2880;
	s24 =	simm.s32 $0x3080;
	s25 =	simm.s32 $0x3880  }
0x5: {  	s26 =	simm.s32 $0x4080;
	s7 =	simm.s32 $0x80;
	s9 =	simm.s32 $0x5080  }
0x6: {  	s10 =	simm.s32 $0x5880;
	s11 =	simm.s32 $0x6080;
	s1 =	sand.u32 $0x1, s1  }
0x7: {  	s12 =	simm.s32 $0x6880;
	s2 =	sshll.u32 s0, $0x8;
	s3 =	sshll.u32 s1, $0x7  }
0x8: {  	s13 =	simm.s32 $0x7080;
	s3 =	sor.u32 s3, s2;
	s2 =	simm.s32 $0x0  }
0x9: {  	s14 =	simm.s32 $0x7880;
	s15 =	simm.s32 $0x8080;
	[smem:$0x7FF] =	sst s2  }
0xa: {  	s16 =	simm.s32 $0x8880;
	_ =	strace $0x80000047;
	[dreg:$0x5] =	wrdreg s18  }
0xb: {  	s17 =	simm.s32 $0x9080;
	s28 =	simm.s32 $0xE080;
	[dreg:$0x6] =	wrdreg s19  }
0xc: {  	s29 =	simm.s32 $0xE880;
	s30 =	simm.s32 $0xF080;
	[dreg:$0x7] =	wrdreg s20  }
0xd: {  	s31 =	simm.s32 $0xF880;
	s1 =	ssub.s32 $0x2, s1;
	[dreg:$0x8] =	wrdreg s21  }
0xe: {  	s22 =	sshrl.u32 s1, $0x1;
	s6 =	sshrl.u32 s3, $0x3;
	[dreg:$0x9] =	wrdreg s23  }
0xf: {  	s3 =	sshll.u32 s3, $0x6;
	s1 =	ssub.s32 s1, s22;
	[dreg:$0xa] =	wrdreg s24  }
0x10: {  	s22 =	simm.s32 $0xB880;
	s6 =	sadd.s32 s6, s4;
	[dreg:$0xb] =	wrdreg s25  }
0x11: {  	s3 =	sadd.s32 s5, s3;
	s5 =	smax.u32 s1, $0x1;
	[dreg:$0xc] =	wrdreg s26  }
0x12: {  	s18 =	simm.s32 $0x9880;
	s19 =	simm.s32 $0xA080;
	s20 =	simm.s32 $0xA880  }
0x13: {  	s21 =	simm.s32 $0xB080;
	s23 =	simm.s32 $0xC080;
	s24 =	simm.s32 $0xC880  }
0x14: {  	v2 =	vlaneseq.u32;
	s25 =	simm.s32 $0xD080;
	s26 =	simm.s32 $0xD880;
	s1 =	simm.s32 $0x1  }
0x15: {  	vm0 =	vmmov $0xffff;
	v1 =	vshrl.u32 v2, $0x3;
	s6 =	sadd.s32 $0x9600, s6;
	[dreg:$0x4] =	wrdreg s3;
	s3 =	sadd.s32 $0x1600, s4  }
0x16: {  	v0 =	vand.u32 $0x7, v2;
	v2 =	vor.u32 $0x8, v2;
	v1 =	vmul.u32 $0x8, v1;
	s4 =	sadd.s32 $0x1700, s4;
	[dreg:$0x3] =	wrdreg s6;
	s6 =	simm.s32 $0x2  }
.LBB2_1:
0x17: {  	s0 =	rddreg [dreg:$0x3]  }
0x18: {  	[tilespmem:s2], [sflag:$0x2] =	stream.linear.gather [hbm4b:s0+s2], $0x80, $0x38;
	[tilespmem:$0x10080] =	vst v63  }
0x19: {  	_ =	swait.ge [sflag:s6], $0x80  }
0x1a: {  	[sflag:s6] =	ssyncset.done $0x0  }
0x1b: {  	[sflag:s6] =	ssyncadd.s32 $0xFFFFFF80  }
0x1c: {  	v3 =	vld [tilespmem:$0x0];
	_ =	sdelay $0x4  }
0x1d: {  	v4 =	vshll.u32 v3, $0x2  }
0x1e: {  	v3 =	vand.u32 $0x7, v3;
	v4 =	vand.u32 $0xFFFFFFE0, v4  }
0x1f: {  	v3 =	vor.u32 v3, v4  }
0x20: {  	v4 =	vperm.xlane v3, v0;
	_ =	sdelay $0x1  }
0x21: {  	v4 =	vadd.s32 v1, v4;
	_ =	sdelay $0x1  }
0x22: {  	v3 =	vperm.xlane v3, v2;
	_ =	sdelay $0x1  }
0x23: {  	v3 =	vadd.s32 v1, v3  }
0x24: {  	[tilespmem:s7], [sflag:$0x1] =	stream.indirect_vreg.gather [hbm4b:s3+s2], $0x80, v4, vm0, $0xb8;
	[tilespmem:$0x10080] =	vst v63  }
0x25: {  	s0 =	rddreg [dreg:$0x5]  }
0x26: {  	[tilespmem:s0], [sflag:$0x1] =	stream.indirect_vreg.gather [hbm4b:s4+s2], $0x80, v4, vm0, $0xb8;
	[tilespmem:$0x10080] =	vst v63  }
0x27: {  	s8 =	rddreg [dreg:$0x6]  }
0x28: {  	[tilespmem:s8], [sflag:$0x1] =	stream.indirect_vreg.gather [hbm4b:s3+s2], $0x80, v3, vm0, $0xb8;
	[tilespmem:$0x10080] =	vst v63  }
0x29: {  	s0 =	rddreg [dreg:$0x7]  }
0x2a: {  	[tilespmem:s0], [sflag:$0x1] =	stream.indirect_vreg.gather [hbm4b:s4+s2], $0x80, v3, vm0, $0xb8;
	[tilespmem:$0x10080] =	vst v63  }
0x2b: {  	v3 =	vld [tilespmem:$0x10];
	_ =	sdelay $0x4  }
0x2c: {  	v57 =	vshll.u32 v3, $0x2  }
0x2d: {  	v3 =	vand.u32 $0x7, v3;
	v4 =	vand.u32 $0xFFFFFFE0, v57  }
0x2e: {  	v3 =	vor.u32 v3, v4  }
0x2f: {  	v4 =	vperm.xlane v3, v0;
	_ =	sdelay $0x1  }
0x30: {  	v4 =	vadd.s32 v1, v4;
	_ =	sdelay $0x1  }
0x31: {  	v3 =	vperm.xlane v3, v2;
	_ =	sdelay $0x1  }
0x32: {  	s0 =	rddreg [dreg:$0x8];
	v3 =	vadd.s32 v1, v3  }
0x33: {  	[tilespmem:s0], [sflag:$0x1] =	stream.indirect_vreg.gather [hbm4b:s3+s2], $0x80, v4, vm0, $0xb8;
	[tilespmem:$0x10080] =	vst v63  }
0x34: {  	s8 =	rddreg [dreg:$0x9]  }
0x35: {  	[tilespmem:s8], [sflag:$0x1] =	stream.indirect_vreg.gather [hbm4b:s4+s2], $0x80, v4, vm0, $0xb8;
	[tilespmem:$0x10080] =	vst v63  }
0x36: {  	s0 =	rddreg [dreg:$0xa]  }
0x37: {  	[tilespmem:s0], [sflag:$0x1] =	stream.indirect_vreg.gather [hbm4b:s3+s2], $0x80, v3, vm0, $0xb8;
	[tilespmem:$0x10080] =	vst v63  }
0x38: {  	s8 =	rddreg [dreg:$0xb]  }
0x39: {  	[tilespmem:s8], [sflag:$0x1] =	stream.indirect_vreg.gather [hbm4b:s4+s2], $0x80, v3, vm0, $0xb8;
	[tilespmem:$0x10080] =	vst v63  }
0x3a: {  	v3 =	vld [tilespmem:$0x20];
	_ =	sdelay $0x4  }
0x3b: {  	v58 =	vshll.u32 v3, $0x2  }
0x3c: {  	v3 =	vand.u32 $0x7, v3;
	v4 =	vand.u32 $0xFFFFFFE0, v58  }
0x3d: {  	v3 =	vor.u32 v3, v4  }
0x3e: {  	v4 =	vperm.xlane v3, v0;
	_ =	sdelay $0x1  }
0x3f: {  	v4 =	vadd.s32 v1, v4;
	_ =	sdelay $0x1  }
0x40: {  	v3 =	vperm.xlane v3, v2;
	_ =	sdelay $0x1  }
0x41: {  	s8 =	rddreg [dreg:$0xc];
	v3 =	vadd.s32 v1, v3  }
0x42: {  	[tilespmem:s8], [sflag:$0x1] =	stream.indirect_vreg.gather [hbm4b:s3+s2], $0x80, v4, vm0, $0xb8;
	[tilespmem:$0x10080] =	vst v63  }
0x43: {  	s8 =	simm.s32 $0x4880  }
0x44: {  	[tilespmem:s8], [sflag:$0x1] =	stream.indirect_vreg.gather [hbm4b:s4+s2], $0x80, v4, vm0, $0xb8;
	[tilespmem:$0x10080] =	vst v63  }
0x45: {  	_ = 	snop  }
0x46: {  	[tilespmem:s9], [sflag:$0x1] =	stream.indirect_vreg.gather [hbm4b:s3+s2], $0x80, v3, vm0, $0xb8;
	[tilespmem:$0x10080] =	vst v63  }
0x47: {  	_ = 	snop  }
0x48: {  	[tilespmem:s10], [sflag:$0x1] =	stream.indirect_vreg.gather [hbm4b:s4+s2], $0x80, v3, vm0, $0xb8;
	[tilespmem:$0x10080] =	vst v63  }
0x49: {  	v3 =	vld [tilespmem:$0x30];
	_ =	sdelay $0x4  }
0x4a: {  	v59 =	vshll.u32 v3, $0x2  }
0x4b: {  	v3 =	vand.u32 $0x7, v3;
	v4 =	vand.u32 $0xFFFFFFE0, v59  }
0x4c: {  	v3 =	vor.u32 v3, v4  }
0x4d: {  	v4 =	vperm.xlane v3, v0;
	_ =	sdelay $0x1  }
0x4e: {  	v4 =	vadd.s32 v1, v4;
	_ =	sdelay $0x1  }
0x4f: {  	v3 =	vperm.xlane v3, v2;
	_ =	sdelay $0x1  }
0x50: {  	v3 =	vadd.s32 v1, v3  }
0x51: {  	[tilespmem:s11], [sflag:$0x1] =	stream.indirect_vreg.gather [hbm4b:s3+s2], $0x80, v4, vm0, $0xb8;
	[tilespmem:$0x10080] =	vst v63  }
0x52: {  	_ = 	snop  }
0x53: {  	[tilespmem:s12], [sflag:$0x1] =	stream.indirect_vreg.gather [hbm4b:s4+s2], $0x80, v4, vm0, $0xb8;
	[tilespmem:$0x10080] =	vst v63  }
0x54: {  	_ = 	snop  }
0x55: {  	[tilespmem:s13], [sflag:$0x1] =	stream.indirect_vreg.gather [hbm4b:s3+s2], $0x80, v3, vm0, $0xb8;
	[tilespmem:$0x10080] =	vst v63  }
0x56: {  	_ = 	snop  }
0x57: {  	[tilespmem:s14], [sflag:$0x1] =	stream.indirect_vreg.gather [hbm4b:s4+s2], $0x80, v3, vm0, $0xb8;
	[tilespmem:$0x10080] =	vst v63  }
0x58: {  	v3 =	vld [tilespmem:$0x40];
	_ =	sdelay $0x4  }
0x59: {  	v60 =	vshll.u32 v3, $0x2  }
0x5a: {  	v3 =	vand.u32 $0x7, v3;
	v4 =	vand.u32 $0xFFFFFFE0, v60  }
0x5b: {  	v3 =	vor.u32 v3, v4  }
0x5c: {  	v4 =	vperm.xlane v3, v0;
	_ =	sdelay $0x1  }
0x5d: {  	v4 =	vadd.s32 v1, v4;
	_ =	sdelay $0x1  }
0x5e: {  	v3 =	vperm.xlane v3, v2;
	_ =	sdelay $0x1  }
0x5f: {  	v3 =	vadd.s32 v1, v3  }
0x60: {  	[tilespmem:s15], [sflag:$0x1] =	stream.indirect_vreg.gather [hbm4b:s3+s2], $0x80, v4, vm0, $0xb8;
	[tilespmem:$0x10080] =	vst v63  }
0x61: {  	_ = 	snop  }
0x62: {  	[tilespmem:s16], [sflag:$0x1] =	stream.indirect_vreg.gather [hbm4b:s4+s2], $0x80, v4, vm0, $0xb8;
	[tilespmem:$0x10080] =	vst v63  }
0x63: {  	_ = 	snop  }
0x64: {  	[tilespmem:s17], [sflag:$0x1] =	stream.indirect_vreg.gather [hbm4b:s3+s2], $0x80, v3, vm0, $0xb8;
	[tilespmem:$0x10080] =	vst v63  }
0x65: {  	_ = 	snop  }
0x66: {  	[tilespmem:s18], [sflag:$0x1] =	stream.indirect_vreg.gather [hbm4b:s4+s2], $0x80, v3, vm0, $0xb8;
	[tilespmem:$0x10080] =	vst v63  }
0x67: {  	v3 =	vld [tilespmem:$0x50];
	_ =	sdelay $0x4  }
0x68: {  	v61 =	vshll.u32 v3, $0x2  }
0x69: {  	v3 =	vand.u32 $0x7, v3;
	v4 =	vand.u32 $0xFFFFFFE0, v61  }
0x6a: {  	v3 =	vor.u32 v3, v4  }
0x6b: {  	v4 =	vperm.xlane v3, v0;
	_ =	sdelay $0x1  }
0x6c: {  	v4 =	vadd.s32 v1, v4;
	_ =	sdelay $0x1  }
0x6d: {  	v3 =	vperm.xlane v3, v2;
	_ =	sdelay $0x1  }
0x6e: {  	v3 =	vadd.s32 v1, v3  }
0x6f: {  	[tilespmem:s19], [sflag:$0x1] =	stream.indirect_vreg.gather [hbm4b:s3+s2], $0x80, v4, vm0, $0xb8;
	[tilespmem:$0x10080] =	vst v63  }
0x70: {  	_ = 	snop  }
0x71: {  	[tilespmem:s20], [sflag:$0x1] =	stream.indirect_vreg.gather [hbm4b:s4+s2], $0x80, v4, vm0, $0xb8;
	[tilespmem:$0x10080] =	vst v63  }
0x72: {  	_ = 	snop  }
0x73: {  	[tilespmem:s21], [sflag:$0x1] =	stream.indirect_vreg.gather [hbm4b:s3+s2], $0x80, v3, vm0, $0xb8;
	[tilespmem:$0x10080] =	vst v63  }
0x74: {  	_ = 	snop  }
0x75: {  	[tilespmem:s22], [sflag:$0x1] =	stream.indirect_vreg.gather [hbm4b:s4+s2], $0x80, v3, vm0, $0xb8;
	[tilespmem:$0x10080] =	vst v63  }
0x76: {  	v3 =	vld [tilespmem:$0x60];
	_ =	sdelay $0x4  }
0x77: {  	v62 =	vshll.u32 v3, $0x2  }
0x78: {  	v3 =	vand.u32 $0x7, v3;
	v4 =	vand.u32 $0xFFFFFFE0, v62  }
0x79: {  	v3 =	vor.u32 v3, v4  }
0x7a: {  	v4 =	vperm.xlane v3, v0;
	_ =	sdelay $0x1  }
0x7b: {  	v4 =	vadd.s32 v1, v4;
	_ =	sdelay $0x1  }
0x7c: {  	v3 =	vperm.xlane v3, v2;
	_ =	sdelay $0x1  }
0x7d: {  	v3 =	vadd.s32 v1, v3  }
0x7e: {  	[tilespmem:s23], [sflag:$0x1] =	stream.indirect_vreg.gather [hbm4b:s3+s2], $0x80, v4, vm0, $0xb8;
	[tilespmem:$0x10080] =	vst v63  }
0x7f: {  	_ = 	snop  }
0x80: {  	[tilespmem:s24], [sflag:$0x1] =	stream.indirect_vreg.gather [hbm4b:s4+s2], $0x80, v4, vm0, $0xb8;
	[tilespmem:$0x10080] =	vst v63  }
0x81: {  	_ = 	snop  }
0x82: {  	[tilespmem:s25], [sflag:$0x1] =	stream.indirect_vreg.gather [hbm4b:s3+s2], $0x80, v3, vm0, $0xb8;
	[tilespmem:$0x10080] =	vst v63  }
0x83: {  	_ = 	snop  }
0x84: {  	[tilespmem:s26], [sflag:$0x1] =	stream.indirect_vreg.gather [hbm4b:s4+s2], $0x80, v3, vm0, $0xb8;
	[tilespmem:$0x10080] =	vst v63  }
0x85: {  	v3 =	vld [tilespmem:$0x70];
	_ =	sdelay $0x4  }
0x86: {  	v63 =	vshll.u32 v3, $0x2  }
0x87: {  	v3 =	vand.u32 $0x7, v3;
	v4 =	vand.u32 $0xFFFFFFE0, v63  }
0x88: {  	v3 =	vor.u32 v3, v4  }
0x89: {  	v4 =	vperm.xlane v3, v0;
	_ =	sdelay $0x1  }
0x8a: {  	v4 =	vadd.s32 v1, v4;
	_ =	sdelay $0x1  }
0x8b: {  	v3 =	vperm.xlane v3, v2;
	_ =	sdelay $0x1  }
0x8c: {  	v3 =	vadd.s32 v1, v3  }
0x8d: {  	[tilespmem:s28], [sflag:$0x1] =	stream.indirect_vreg.gather [hbm4b:s3+s2], $0x80, v4, vm0, $0xb8;
	[tilespmem:$0x10080] =	vst v63  }
0x8e: {  	_ = 	snop  }
0x8f: {  	[tilespmem:s29], [sflag:$0x1] =	stream.indirect_vreg.gather [hbm4b:s4+s2], $0x80, v4, vm0, $0xb8;
	[tilespmem:$0x10080] =	vst v63  }
0x90: {  	_ = 	snop  }
0x91: {  	[tilespmem:s30], [sflag:$0x1] =	stream.indirect_vreg.gather [hbm4b:s3+s2], $0x80, v3, vm0, $0xb8;
	[tilespmem:$0x10080] =	vst v63  }
0x92: {  	_ = 	snop  }
0x93: {  	[tilespmem:s31], [sflag:$0x1] =	stream.indirect_vreg.gather [hbm4b:s4+s2], $0x80, v3, vm0, $0xb8;
	[tilespmem:$0x10080] =	vst v63  }
0x94: {  	_ =	swait.ge [sflag:s1], $0x10000  }
0x95: {  	p0 =	sne.s32 s5, $0x1;
	[sflag:s1] =	ssyncset.done $0x0  }
.Ltmp0:
0x96: {  	s8 =	rddreg [dreg:$0x4];
	[sflag:s1] =	ssyncadd.s32 $0xFFFF0000;
	(pc) =	sbr.rel @p0 .LBB2_1-.Ltmp0, $4  }
0x97: {  	[hbm4b:s8+s2] =	stream.linear.scatter [tilespmem:s7], [sflag:$0x2], $0x10000, $0x38;
	[tilespmem:$0x10080] =	vst v63  }
0x98: {  	_ =	swait.ge [sflag:s6], $0x10000  }
0x99: {  	[sflag:s6] =	ssyncset.done $0x0  }
0x9a: {  	s5 =	sadd.s32 $0xFFFFFFFF, s5;
	[sflag:s6] =	ssyncadd.s32 $0xFFFF0000  }
0x9b: {  	_ =	sfence.sel $0x180000  }
0x9c: {  	[bflag:$0x0] =	sbarrier.arrive $0xFFFF  }
0x9d: {  	_ =	strace $0x90000047  }
0x9e: {  	s0 =	stileid.u32;
	[bflag:$0x2] =	sbarrier.arrive $0xFFFF  }
0x9f: {  	p0 =	sne.s32 s0, $0x0;
	s0 =	rddreg [dreg:$0x2]  }
0xa0: {  	s0 =	sadd.s32 @!p0 $0x100000, s0  }
0xa1: {  	[sflag:s0] =	ssyncadd.tile.s32 @!p0 $0x1;
	_ =	shalt  }
.Lfunc_end2:
_tile_overlayer_lowered:
.L_overlay_start_2:
0xa2: {  	(tag) =	ssettag $0x2  }
0xa3: {  	s0 =	rddreg [dreg:$0x0];
	s2 =	stileid.u32  }
0xa4: {  	s1 =	rddreg [dreg:$0x1];
	p0 =	sne.s32 s2, $0x0  }
0xa5: {  	s3 =	rddreg [dreg:$0x2];
	[bflag:$0x3] =	sbarrier.arrive $0xFFFF;
	s2 =	simm.s32 @!p0 $0x1C02  }
0xa6: {  	[timem:s3], [sflag:s2] =	dma.local @!p0 [hbm:s0], s1  }
0xa7: {  	s0 =	simm.s32 @!p0 $0x2  }
0xa8: {  	_ =	swait.ge @!p0 [sflag:s0], s1  }
0xa9: {  	s1 =	ssub.s32 @!p0 $0x0, s1;
	[sflag:s0] =	ssyncset.done @!p0 $0x0  }
0xaa: {  	[sflag:s0] =	ssyncadd.s32 @!p0 s1  }
0xab: {  	[bflag:$0x3] =	sbarrier.arrive $0xFFFF  }
0xac: {  	_ =	shalt  }

</sc_bundles>
